<compile_context>
chip_gen: v7x
topology: tpu7x:2x2x1
jax: 0.10.2.dev20260603
libtpu: 0.0.44.dev20260713+nightly
codegen_flags: <defaults>
</compile_context>

<pallas_src>
import jax
import jax.numpy as jnp
from jax import lax
from jax.experimental import pallas as pl
from jax.experimental.pallas import tpu as pltpu
from jax.experimental.pallas import tpu_sc as plsc

_N = 10000
_D = 256
_E = 160000
_H = _D // 2
_NCORE = 2
_NSUB = 16
_CH = 80
_EPS = _E // _NSUB
_CPB = 25
_NBLK = _EPS // (_CPB * _CH)
_NPAD = 10240
_NPS = _NPAD // _NSUB
_BN = 1000

_f32 = jnp.float32

_MESH = plsc.VectorSubcoreMesh(core_axis_name="c", subcore_axis_name="s")


def _sc_agg_body(x2, src4, dst4, out, src_v, dst_v, rows_v, acc_sh, sem):
  core = lax.axis_index("c")
  sid = lax.axis_index("s")
  row0 = sid * _NPS

  @pl.loop(0, _CH)
  def _(r):
    @pl.loop(0, _H, step=16)
    def _(c):
      rows_v[r, pl.ds(c, 16)] = jnp.zeros((16,), _f32)

  @pl.loop(0, _NPS, step=_CH)
  def _(r):
    pltpu.sync_copy(rows_v, acc_sh.at[pl.ds(row0 + r, _CH)])

  plsc.subcore_barrier()

  @pl.loop(0, _NBLK)
  def _(k):
    pltpu.sync_copy(src4.at[sid, k], src_v)
    pltpu.sync_copy(dst4.at[sid, k], dst_v)

    @pl.loop(0, _CPB)
    def _(j):
      @pl.loop(0, _CH, step=16)
      def _(c):
        v = src_v[j, pl.ds(c, 16)]
        src_v[j, pl.ds(c, 16)] = v * 2 + core

    @pl.loop(0, _CPB)
    def _(j):
      pltpu.sync_copy(x2.at[src_v.at[j]], rows_v)
      pltpu.sync_copy(rows_v, acc_sh.at[dst_v.at[j]], add=True)

  plsc.subcore_barrier()

  pltpu.sync_copy(acc_sh.at[pl.ds(row0, _NPS)],
                  out.at[core, pl.ds(row0, _NPS)])


_sc_agg = pl.kernel(
    _sc_agg_body,
    out_type=jax.ShapeDtypeStruct((_NCORE, _NPAD, _H), _f32),
    mesh=_MESH,
    scratch_types=[
        pltpu.VMEM((_CPB, _CH), jnp.int32),
        pltpu.VMEM((_CPB, _CH), jnp.int32),
        pltpu.VMEM((_CH, _H), _f32),
        pltpu.VMEM_SHARED((_NPAD, _H), _f32),
        pltpu.SemaphoreType.DMA,
    ],
)


def _tc_pre(x, Wr, bl2):
  def tc_body(x_ref, wr_ref, bl_ref, o_ref):
    o_ref[...] = (jnp.dot(x_ref[...], wr_ref[...], preferred_element_type=_f32,
                          precision=lax.Precision.HIGHEST) + bl_ref[...])

  return pl.pallas_call(
      tc_body,
      grid=(_N // _BN,),
      in_specs=[pl.BlockSpec((_BN, _D), lambda i: (i, 0)),
                pl.BlockSpec((_D, _D), lambda i: (0, 0)),
                pl.BlockSpec((1, _D), lambda i: (0, 0))],
      out_specs=pl.BlockSpec((_BN, _D), lambda i: (i, 0)),
      out_shape=jax.ShapeDtypeStruct((_N, _D), _f32),
  )(x, Wr, bl2)


def _tc_post(agg2, cnt, xr, Wl):
  def tc_body(a_ref, cnt_ref, xr_ref, wl_ref, o_ref):
    recip = 1.0 / jnp.maximum(cnt_ref[:, 0:1], 1.0)
    a0 = a_ref[0] * recip
    a1 = a_ref[1] * recip
    y = jnp.dot(a0, wl_ref[0:_H, :], preferred_element_type=_f32,
                precision=lax.Precision.HIGHEST)
    y = y + jnp.dot(a1, wl_ref[_H:_D, :], preferred_element_type=_f32,
                    precision=lax.Precision.HIGHEST)
    y = y + xr_ref[...]
    m = jnp.max(y, axis=-1, keepdims=True)
    e = jnp.exp(y - m)
    o_ref[...] = e / jnp.sum(e, axis=-1, keepdims=True)

  return pl.pallas_call(
      tc_body,
      grid=(_N // _BN,),
      in_specs=[pl.BlockSpec((_NCORE, _BN, _H), lambda i: (0, i, 0)),
                pl.BlockSpec((_BN, 16), lambda i: (i, 0)),
                pl.BlockSpec((_BN, _D), lambda i: (i, 0)),
                pl.BlockSpec((_D, _D), lambda i: (0, 0))],
      out_specs=pl.BlockSpec((_BN, _D), lambda i: (i, 0)),
      out_shape=jax.ShapeDtypeStruct((_N, _D), _f32),
  )(agg2, cnt, xr, Wl)


def kernel(x, edge_index, Wl0, bl0, Wr0, Wl1, bl1, Wr1, Wl2, bl2, Wr2):
  src4 = edge_index[0].reshape(_NSUB, _NBLK, _CPB, _CH)
  dst4 = edge_index[1].reshape(_NSUB, _NBLK, _CPB, _CH)
  params = [(Wl0, bl0, Wr0), (Wl1, bl1, Wr1), (Wl2, bl2, Wr2)]
  ones_x2 = jnp.ones((_NCORE * _N, _H), _f32)
  cnt = _sc_agg(ones_x2, src4, dst4)[0, :, :16]
  h = x
  for Wl, bl, Wr in params:
    x2 = h.reshape(_NCORE * _N, _H)
    agg2 = _sc_agg(x2, src4, dst4)
    xr = _tc_pre(h, Wr, bl.reshape(1, _D))
    h = _tc_post(agg2, cnt, xr, Wl)
  return h

# --- scband reference (transcript-rebuilt; emitter-appended) ---
"""Pipeline reference for scband-gcn-59760174957269 (READ-ONLY COPY).

The authoritative reference and input builder live on the scoring server;
editing this copy changes nothing except your own understanding.
"""

import jax, jax.numpy as jnp
import numpy as np

N = 10000
E = 160000
D = 256
L = 3


def setup_inputs(seed: int = 0) -> dict:
    key = jax.random.key(seed)
    ks = jax.random.split(key, 2 + 3 * L)
    inp = {}
    inp["x"] = jax.random.normal(ks[0], (N, D), dtype=jnp.float32)
    inp["edge_index"] = jax.random.randint(ks[1], (2, E), 0, N, dtype=jnp.int32)
    scale = 1.0 / np.sqrt(D)
    for i in range(L):
        inp[f"Wl{i}"] = jax.random.normal(ks[2 + 3 * i], (D, D), dtype=jnp.float32) * scale
        inp[f"bl{i}"] = jnp.zeros((D,), dtype=jnp.float32)
        inp[f"Wr{i}"] = jax.random.normal(ks[3 + 3 * i], (D, D), dtype=jnp.float32) * scale
    return inp


def _sage_conv(x, edge_index, Wl, bl, Wr):
    # PyG SAGEConv: mean-aggregate source features onto destination nodes,
    # then out = lin_l(aggr) + lin_r(x) (root weight, bias on lin_l).
    src = edge_index[0]
    dst = edge_index[1]
    msg = jnp.take(x, src, axis=0)
    agg_sum = jax.ops.segment_sum(msg, dst, num_segments=N)
    cnt = jax.ops.segment_sum(jnp.ones((edge_index.shape[1],), dtype=x.dtype), dst, num_segments=N)
    agg = agg_sum / jnp.maximum(cnt, 1.0)[:, None]
    return agg @ Wl + bl + x @ Wr


def reference(x, edge_index, Wl0, bl0, Wr0, Wl1, bl1, Wr1, Wl2, bl2, Wr2):
    params = [(Wl0, bl0, Wr0), (Wl1, bl1, Wr1), (Wl2, bl2, Wr2)]
    out = x
    for (Wl, bl, Wr) in params:
        out = _sage_conv(out, edge_index, Wl, bl, Wr)
        out = jax.nn.softmax(out, axis=-1)
    return out

if __name__ == "__main__":
    import jax
    _d = setup_inputs()
    print(jax.jit(kernel)(*tuple(_d.values())))

</pallas_src>

<mosaic_0001>
#map = affine_map<(d0, d1) -> (0, 0)>
#map1 = affine_map<(d0, d1) -> (0, 0, 0, 0)>
#map2 = affine_map<(d0, d1) -> (0, 0, 0)>
module attributes {stable_mosaic.version = 14 : i64} {
  func.func @_sc_agg_body(%arg0: i32, %arg1: i32, %arg2: memref<20000x128xf32, #tpu.memory_space<hbm>>, %arg3: memref<16x5x25x80xi32, #tpu.memory_space<hbm>>, %arg4: memref<16x5x25x80xi32, #tpu.memory_space<hbm>>, %arg5: memref<2x10240x128xf32, #tpu.memory_space<hbm>>, %arg6: memref<25x80xi32, #tpu.memory_space<vmem>>, %arg7: memref<25x80xi32, #tpu.memory_space<vmem>>, %arg8: memref<80x128xf32, #tpu.memory_space<vmem>>, %arg9: memref<10240x128xf32, #tpu.memory_space<vmem_shared>>, %arg10: memref<!tpu.dma_semaphore, #tpu.memory_space<semaphore_mem>>) attributes {dimension_semantics = [#tpu.dimension_semantics<core_parallel>, #tpu.dimension_semantics<subcore_parallel>], iteration_bounds = array<i64: 2, 16>, scalar_prefetch = 0 : i64, scratch_operands = 5 : i64, tpu.core_type = #tpu.core_type<sc_vector_subcore>, window_params = [{transform_indices = #map}, {transform_indices = #map1}, {transform_indices = #map1}, {transform_indices = #map2}]} {
    %mul3A = arith.constant 640 : i32
    %mul3A_0 = arith.muli %arg1, %mul3A : i32
    %scan3A = arith.constant 0 : i32
    %scan3A_1 = arith.constant 80 : i32
    %scan3A_2 = arith.addi %scan3A, %scan3A_1 : i32
    %scan3A_3 = arith.constant 1 : i32
    scf.for %scan3A_16 = %scan3A to %scan3A_2 step %scan3A_3  : i32 {
      %mul3A_17 = arith.constant 1 : i32
      %mul3A_18 = arith.muli %scan3A_16, %mul3A_17 : i32
      %add3A = arith.constant 0 : i32
      %add3A_19 = arith.addi %add3A, %mul3A_18 : i32
      %scan3A_20 = arith.constant 0 : i32
      %scan3A_21 = arith.constant 8 : i32
      %scan3A_22 = arith.addi %scan3A_20, %scan3A_21 : i32
      %scan3A_23 = arith.constant 1 : i32
      scf.for %scan3A_25 = %scan3A_20 to %scan3A_22 step %scan3A_23  : i32 {
        %mul3A_26 = arith.constant 16 : i32
        %mul3A_27 = arith.muli %scan3A_25, %mul3A_26 : i32
        %add3A_28 = arith.constant 0 : i32
        %add3A_29 = arith.addi %add3A_28, %mul3A_27 : i32
        %broadcast_in_dim3A = arith.constant 0.000000e+00 : f32
        %broadcast_in_dim3A_30 = vector.broadcast %broadcast_in_dim3A : f32 to vector<16xf32>
        %swap3A = arith.index_cast %add3A_19 : i32 to index
        %swap3A_31 = arith.index_cast %add3A_29 : i32 to index
        %swap3A_32 = tpu.vector_load %arg8[%swap3A, %swap3A_31] {strides = array<i32>} : memref<80x128xf32, #tpu.memory_space<vmem>>, vector<1x16xf32>,
        %swap3A_33 = vector.shape_cast %swap3A_32 : vector<1x16xf32> to vector<16xf32>
        %swap3A_34 = vector.shape_cast %broadcast_in_dim3A_30 : vector<16xf32> to vector<1x16xf32>
        tpu.vector_store %arg8[%swap3A, %swap3A_31], %swap3A_34 {strides = array<i32>} : memref<80x128xf32, #tpu.memory_space<vmem>>, vector<1x16xf32>,
      }
      %scan3A_24 = arith.constant 8 : i32
    }
    %scan3A_4 = arith.constant 80 : i32
    %scan3A_5 = arith.constant 0 : i32
    %scan3A_6 = arith.constant 8 : i32
    %scan3A_7 = arith.addi %scan3A_5, %scan3A_6 : i32
    %scan3A_8 = arith.constant 1 : i32
    scf.for %scan3A_16 = %scan3A_5 to %scan3A_7 step %scan3A_8  : i32 {
      %mul3A_17 = arith.constant 80 : i32
      %mul3A_18 = arith.muli %scan3A_16, %mul3A_17 : i32
      %add3A = arith.constant 0 : i32
      %add3A_19 = arith.addi %add3A, %mul3A_18 : i32
      %add3A_20 = arith.addi %mul3A_0, %add3A_19 : i32
      "tpu.region"() ({
        %run_scoped3A = tpu.sem_alloc : memref<!tpu.dma_semaphore, #tpu.memory_space<semaphore_mem>>
        %dma_start3A = arith.constant 0 : i32
        %dma_start3A_21 = tpu.memref_slice %arg9[%add3A_20, %dma_start3A] : memref<10240x128xf32, #tpu.memory_space<vmem_shared>> -> memref<80x128xf32, #tpu.memory_space<vmem_shared>>
        %dma_start3A_22 = arith.constant 0 : i32
        %dma_start3A_23 = tpu.memref_slice %arg9[%add3A_20, %dma_start3A_22] : memref<10240x128xf32, #tpu.memory_space<vmem_shared>> -> memref<80x128xf32, #tpu.memory_space<vmem_shared>>
        tpu.enqueue_dma source(%arg8 : memref<80x128xf32, #tpu.memory_space<vmem>>) target(%dma_start3A_23 : memref<80x128xf32, #tpu.memory_space<vmem_shared>>) target_semaphore(%run_scoped3A : memref<!tpu.dma_semaphore, #tpu.memory_space<semaphore_mem>>)
        %dma_wait3A = arith.constant 0 : i32
        %dma_wait3A_24 = tpu.memref_slice %arg9[%add3A_20, %dma_wait3A] : memref<10240x128xf32, #tpu.memory_space<vmem_shared>> -> memref<80x128xf32, #tpu.memory_space<vmem_shared>>
        %dma_wait3A_25 = arith.constant 0 : i32
        %dma_wait3A_26 = tpu.memref_slice %arg9[%add3A_20, %dma_wait3A_25] : memref<10240x128xf32, #tpu.memory_space<vmem_shared>> -> memref<80x128xf32, #tpu.memory_space<vmem_shared>>
        tpu.wait_dma2 semaphore(%run_scoped3A : memref<!tpu.dma_semaphore, #tpu.memory_space<semaphore_mem>>) src(%arg8 : memref<80x128xf32, #tpu.memory_space<vmem>>) dst(%dma_wait3A_26 : memref<80x128xf32, #tpu.memory_space<vmem_shared>>)
        tpu.yield
      }) : () -> ()
    }
    %scan3A_9 = arith.constant 8 : i32
    %barrier3A = arith.constant 0 : index
    tpu.barrier barrier_id(%barrier3A)
    %scan3A_10 = arith.constant 0 : i32
    %scan3A_11 = arith.constant 5 : i32
    %scan3A_12 = arith.addi %scan3A_10, %scan3A_11 : i32
    %scan3A_13 = arith.constant 1 : i32
    scf.for %scan3A_16 = %scan3A_10 to %scan3A_12 step %scan3A_13  : i32 {
      %mul3A_17 = arith.constant 1 : i32
      %mul3A_18 = arith.muli %scan3A_16, %mul3A_17 : i32
      %add3A = arith.constant 0 : i32
      %add3A_19 = arith.addi %add3A, %mul3A_18 : i32
      "tpu.region"() ({
        %run_scoped3A = tpu.sem_alloc : memref<!tpu.dma_semaphore, #tpu.memory_space<semaphore_mem>>
        %dma_start3A = arith.constant 0 : i32
        %dma_start3A_30 = arith.constant 0 : i32
        %dma_start3A_31 = tpu.memref_slice %arg3[%arg1, %add3A_19, %dma_start3A, %dma_start3A_30] : memref<16x5x25x80xi32, #tpu.memory_space<hbm>> -> memref<1x1x25x80xi32, #tpu.memory_space<hbm>>
        %dma_start3A_32 = tpu.memref_squeeze %dma_start3A_31 : memref<1x1x25x80xi32, #tpu.memory_space<hbm>> -> memref<25x80xi32, #tpu.memory_space<hbm>>
        %dma_start3A_33 = arith.constant 0 : i32
        %dma_start3A_34 = arith.constant 0 : i32
        %dma_start3A_35 = tpu.memref_slice %arg3[%arg1, %add3A_19, %dma_start3A_33, %dma_start3A_34] : memref<16x5x25x80xi32, #tpu.memory_space<hbm>> -> memref<1x1x25x80xi32, #tpu.memory_space<hbm>>
        %dma_start3A_36 = tpu.memref_squeeze %dma_start3A_35 : memref<1x1x25x80xi32, #tpu.memory_space<hbm>> -> memref<25x80xi32, #tpu.memory_space<hbm>>
        tpu.enqueue_dma source(%dma_start3A_36 : memref<25x80xi32, #tpu.memory_space<hbm>>) target(%arg6 : memref<25x80xi32, #tpu.memory_space<vmem>>) target_semaphore(%run_scoped3A : memref<!tpu.dma_semaphore, #tpu.memory_space<semaphore_mem>>)
        %dma_wait3A = arith.constant 0 : i32
        %dma_wait3A_37 = arith.constant 0 : i32
        %dma_wait3A_38 = tpu.memref_slice %arg3[%arg1, %add3A_19, %dma_wait3A, %dma_wait3A_37] : memref<16x5x25x80xi32, #tpu.memory_space<hbm>> -> memref<1x1x25x80xi32, #tpu.memory_space<hbm>>
        %dma_wait3A_39 = tpu.memref_squeeze %dma_wait3A_38 : memref<1x1x25x80xi32, #tpu.memory_space<hbm>> -> memref<25x80xi32, #tpu.memory_space<hbm>>
        %dma_wait3A_40 = arith.constant 0 : i32
        %dma_wait3A_41 = arith.constant 0 : i32
        %dma_wait3A_42 = tpu.memref_slice %arg3[%arg1, %add3A_19, %dma_wait3A_40, %dma_wait3A_41] : memref<16x5x25x80xi32, #tpu.memory_space<hbm>> -> memref<1x1x25x80xi32, #tpu.memory_space<hbm>>
        %dma_wait3A_43 = tpu.memref_squeeze %dma_wait3A_42 : memref<1x1x25x80xi32, #tpu.memory_space<hbm>> -> memref<25x80xi32, #tpu.memory_space<hbm>>
        tpu.wait_dma2 semaphore(%run_scoped3A : memref<!tpu.dma_semaphore, #tpu.memory_space<semaphore_mem>>) src(%dma_wait3A_43 : memref<25x80xi32, #tpu.memory_space<hbm>>) dst(%arg6 : memref<25x80xi32, #tpu.memory_space<vmem>>)
        tpu.yield
      }) : () -> ()
      "tpu.region"() ({
        %run_scoped3A = tpu.sem_alloc : memref<!tpu.dma_semaphore, #tpu.memory_space<semaphore_mem>>
        %dma_start3A = arith.constant 0 : i32
        %dma_start3A_30 = arith.constant 0 : i32
        %dma_start3A_31 = tpu.memref_slice %arg4[%arg1, %add3A_19, %dma_start3A, %dma_start3A_30] : memref<16x5x25x80xi32, #tpu.memory_space<hbm>> -> memref<1x1x25x80xi32, #tpu.memory_space<hbm>>
        %dma_start3A_32 = tpu.memref_squeeze %dma_start3A_31 : memref<1x1x25x80xi32, #tpu.memory_space<hbm>> -> memref<25x80xi32, #tpu.memory_space<hbm>>
        %dma_start3A_33 = arith.constant 0 : i32
        %dma_start3A_34 = arith.constant 0 : i32
        %dma_start3A_35 = tpu.memref_slice %arg4[%arg1, %add3A_19, %dma_start3A_33, %dma_start3A_34] : memref<16x5x25x80xi32, #tpu.memory_space<hbm>> -> memref<1x1x25x80xi32, #tpu.memory_space<hbm>>
        %dma_start3A_36 = tpu.memref_squeeze %dma_start3A_35 : memref<1x1x25x80xi32, #tpu.memory_space<hbm>> -> memref<25x80xi32, #tpu.memory_space<hbm>>
        tpu.enqueue_dma source(%dma_start3A_36 : memref<25x80xi32, #tpu.memory_space<hbm>>) target(%arg7 : memref<25x80xi32, #tpu.memory_space<vmem>>) target_semaphore(%run_scoped3A : memref<!tpu.dma_semaphore, #tpu.memory_space<semaphore_mem>>)
        %dma_wait3A = arith.constant 0 : i32
        %dma_wait3A_37 = arith.constant 0 : i32
        %dma_wait3A_38 = tpu.memref_slice %arg4[%arg1, %add3A_19, %dma_wait3A, %dma_wait3A_37] : memref<16x5x25x80xi32, #tpu.memory_space<hbm>> -> memref<1x1x25x80xi32, #tpu.memory_space<hbm>>
        %dma_wait3A_39 = tpu.memref_squeeze %dma_wait3A_38 : memref<1x1x25x80xi32, #tpu.memory_space<hbm>> -> memref<25x80xi32, #tpu.memory_space<hbm>>
        %dma_wait3A_40 = arith.constant 0 : i32
        %dma_wait3A_41 = arith.constant 0 : i32
        %dma_wait3A_42 = tpu.memref_slice %arg4[%arg1, %add3A_19, %dma_wait3A_40, %dma_wait3A_41] : memref<16x5x25x80xi32, #tpu.memory_space<hbm>> -> memref<1x1x25x80xi32, #tpu.memory_space<hbm>>
        %dma_wait3A_43 = tpu.memref_squeeze %dma_wait3A_42 : memref<1x1x25x80xi32, #tpu.memory_space<hbm>> -> memref<25x80xi32, #tpu.memory_space<hbm>>
        tpu.wait_dma2 semaphore(%run_scoped3A : memref<!tpu.dma_semaphore, #tpu.memory_space<semaphore_mem>>) src(%dma_wait3A_43 : memref<25x80xi32, #tpu.memory_space<hbm>>) dst(%arg7 : memref<25x80xi32, #tpu.memory_space<vmem>>)
        tpu.yield
      }) : () -> ()
      %scan3A_20 = arith.constant 0 : i32
      %scan3A_21 = arith.constant 25 : i32
      %scan3A_22 = arith.addi %scan3A_20, %scan3A_21 : i32
      %scan3A_23 = arith.constant 1 : i32
      scf.for %scan3A_30 = %scan3A_20 to %scan3A_22 step %scan3A_23  : i32 {
        %mul3A_31 = arith.constant 1 : i32
        %mul3A_32 = arith.muli %scan3A_30, %mul3A_31 : i32
        %add3A_33 = arith.constant 0 : i32
        %add3A_34 = arith.addi %add3A_33, %mul3A_32 : i32
        %scan3A_35 = arith.constant 0 : i32
        %scan3A_36 = arith.constant 5 : i32
        %scan3A_37 = arith.addi %scan3A_35, %scan3A_36 : i32
        %scan3A_38 = arith.constant 1 : i32
        scf.for %scan3A_40 = %scan3A_35 to %scan3A_37 step %scan3A_38  : i32 {
          %mul3A_41 = arith.constant 16 : i32
          %mul3A_42 = arith.muli %scan3A_40, %mul3A_41 : i32
          %add3A_43 = arith.constant 0 : i32
          %add3A_44 = arith.addi %add3A_43, %mul3A_42 : i32
          %get3A = arith.index_cast %add3A_34 : i32 to index
          %get3A_45 = arith.index_cast %add3A_44 : i32 to index
          %get3A_46 = tpu.vector_load %arg6[%get3A, %get3A_45] {strides = array<i32>} : memref<25x80xi32, #tpu.memory_space<vmem>>, vector<1x16xi32>,
          %get3A_47 = vector.shape_cast %get3A_46 : vector<1x16xi32> to vector<16xi32>
          %mul3A_48 = arith.constant 2 : i32
          %mul3A_49 = vector.broadcast %mul3A_48 : i32 to vector<16xi32>
          %mul3A_50 = arith.muli %get3A_47, %mul3A_49 : vector<16xi32>
          %add3A_51 = vector.broadcast %arg0 : i32 to vector<16xi32>
          %add3A_52 = arith.addi %mul3A_50, %add3A_51 : vector<16xi32>
          %swap3A = arith.index_cast %add3A_34 : i32 to index
          %swap3A_53 = arith.index_cast %add3A_44 : i32 to index
          %swap3A_54 = tpu.vector_load %arg6[%swap3A, %swap3A_53] {strides = array<i32>} : memref<25x80xi32, #tpu.memory_space<vmem>>, vector<1x16xi32>,
          %swap3A_55 = vector.shape_cast %swap3A_54 : vector<1x16xi32> to vector<16xi32>
          %swap3A_56 = vector.shape_cast %add3A_52 : vector<16xi32> to vector<1x16xi32>
          tpu.vector_store %arg6[%swap3A, %swap3A_53], %swap3A_56 {strides = array<i32>} : memref<25x80xi32, #tpu.memory_space<vmem>>, vector<1x16xi32>,
        }
        %scan3A_39 = arith.constant 5 : i32
      }
      %scan3A_24 = arith.constant 25 : i32
      %scan3A_25 = arith.constant 0 : i32
      %scan3A_26 = arith.constant 25 : i32
      %scan3A_27 = arith.addi %scan3A_25, %scan3A_26 : i32
      %scan3A_28 = arith.constant 1 : i32
      scf.for %scan3A_30 = %scan3A_25 to %scan3A_27 step %scan3A_28  : i32 {
        %mul3A_31 = arith.constant 1 : i32
        %mul3A_32 = arith.muli %scan3A_30, %mul3A_31 : i32
        %add3A_33 = arith.constant 0 : i32
        %add3A_34 = arith.addi %add3A_33, %mul3A_32 : i32
        "tpu.region"() ({
          %run_scoped3A = tpu.sem_alloc : memref<!tpu.dma_semaphore, #tpu.memory_space<semaphore_mem>>
          %dma_start3A = arith.constant 0 : i32
          %dma_start3A_35 = tpu.memref_slice %arg6[%add3A_34, %dma_start3A] : memref<25x80xi32, #tpu.memory_space<vmem>> -> memref<1x80xi32, #tpu.memory_space<vmem>>
          %dma_start3A_36 = tpu.memref_squeeze %dma_start3A_35 : memref<1x80xi32, #tpu.memory_space<vmem>> -> memref<80xi32, #tpu.memory_space<vmem>>
          %dma_start3A_37 = arith.constant 0 : i32
          %dma_start3A_38 = arith.constant 0 : i32
          %dma_start3A_39 = tpu.memref_slice %arg2[%dma_start3A_37, %dma_start3A_38] : memref<20000x128xf32, #tpu.memory_space<hbm>> -> memref<20000x128xf32, #tpu.memory_space<hbm>>
          tpu.enqueue_indirect_dma source(%dma_start3A_39 : memref<20000x128xf32, #tpu.memory_space<hbm>>) target(%arg8 : memref<80x128xf32, #tpu.memory_space<vmem>>) offsets(%dma_start3A_36 : memref<80xi32, #tpu.memory_space<vmem>>) semaphore(%run_scoped3A : memref<!tpu.dma_semaphore, #tpu.memory_space<semaphore_mem>>)
          %dma_wait3A = arith.constant 0 : i32
          %dma_wait3A_40 = tpu.memref_slice %arg6[%add3A_34, %dma_wait3A] : memref<25x80xi32, #tpu.memory_space<vmem>> -> memref<1x80xi32, #tpu.memory_space<vmem>>
          %dma_wait3A_41 = tpu.memref_squeeze %dma_wait3A_40 : memref<1x80xi32, #tpu.memory_space<vmem>> -> memref<80xi32, #tpu.memory_space<vmem>>
          %dma_wait3A_42 = arith.constant 0 : i32
          %dma_wait3A_43 = arith.constant 0 : i32
          %dma_wait3A_44 = tpu.memref_slice %arg2[%dma_wait3A_42, %dma_wait3A_43] : memref<20000x128xf32, #tpu.memory_space<hbm>> -> memref<20000x128xf32, #tpu.memory_space<hbm>>
          tpu.wait_indirect_dma semaphore(%run_scoped3A : memref<!tpu.dma_semaphore, #tpu.memory_space<semaphore_mem>>) src(%dma_wait3A_44 : memref<20000x128xf32, #tpu.memory_space<hbm>>) dst(%arg8 : memref<80x128xf32, #tpu.memory_space<vmem>>)
          tpu.yield
        }) : () -> ()
        "tpu.region"() ({
          %run_scoped3A = tpu.sem_alloc : memref<!tpu.dma_semaphore, #tpu.memory_space<semaphore_mem>>
          %dma_start3A = arith.constant 0 : i32
          %dma_start3A_35 = tpu.memref_slice %arg7[%add3A_34, %dma_start3A] : memref<25x80xi32, #tpu.memory_space<vmem>> -> memref<1x80xi32, #tpu.memory_space<vmem>>
          %dma_start3A_36 = tpu.memref_squeeze %dma_start3A_35 : memref<1x80xi32, #tpu.memory_space<vmem>> -> memref<80xi32, #tpu.memory_space<vmem>>
          %dma_start3A_37 = arith.constant 0 : i32
          %dma_start3A_38 = arith.constant 0 : i32
          %dma_start3A_39 = tpu.memref_slice %arg9[%dma_start3A_37, %dma_start3A_38] : memref<10240x128xf32, #tpu.memory_space<vmem_shared>> -> memref<10240x128xf32, #tpu.memory_space<vmem_shared>>
          tpu.enqueue_indirect_dma source(%arg8 : memref<80x128xf32, #tpu.memory_space<vmem>>) target(%dma_start3A_39 : memref<10240x128xf32, #tpu.memory_space<vmem_shared>>) offsets(%dma_start3A_36 : memref<80xi32, #tpu.memory_space<vmem>>) semaphore(%run_scoped3A : memref<!tpu.dma_semaphore, #tpu.memory_space<semaphore_mem>>) {add = true}
          %dma_wait3A = arith.constant 0 : i32
          %dma_wait3A_40 = tpu.memref_slice %arg7[%add3A_34, %dma_wait3A] : memref<25x80xi32, #tpu.memory_space<vmem>> -> memref<1x80xi32, #tpu.memory_space<vmem>>
          %dma_wait3A_41 = tpu.memref_squeeze %dma_wait3A_40 : memref<1x80xi32, #tpu.memory_space<vmem>> -> memref<80xi32, #tpu.memory_space<vmem>>
          %dma_wait3A_42 = arith.constant 0 : i32
          %dma_wait3A_43 = arith.constant 0 : i32
          %dma_wait3A_44 = tpu.memref_slice %arg9[%dma_wait3A_42, %dma_wait3A_43] : memref<10240x128xf32, #tpu.memory_space<vmem_shared>> -> memref<10240x128xf32, #tpu.memory_space<vmem_shared>>
          tpu.wait_indirect_dma semaphore(%run_scoped3A : memref<!tpu.dma_semaphore, #tpu.memory_space<semaphore_mem>>) src(%arg8 : memref<80x128xf32, #tpu.memory_space<vmem>>) dst(%dma_wait3A_44 : memref<10240x128xf32, #tpu.memory_space<vmem_shared>>)
          tpu.yield
        }) : () -> ()
      }
      %scan3A_29 = arith.constant 25 : i32
    }
    %scan3A_14 = arith.constant 5 : i32
    %barrier3A_15 = arith.constant 0 : index
    tpu.barrier barrier_id(%barrier3A_15)
    "tpu.region"() ({
      %run_scoped3A = tpu.sem_alloc : memref<!tpu.dma_semaphore, #tpu.memory_space<semaphore_mem>>
      %dma_start3A = arith.constant 0 : i32
      %dma_start3A_16 = tpu.memref_slice %arg5[%arg0, %mul3A_0, %dma_start3A] : memref<2x10240x128xf32, #tpu.memory_space<hbm>> -> memref<1x640x128xf32, #tpu.memory_space<hbm>>
      %dma_start3A_17 = tpu.memref_squeeze %dma_start3A_16 : memref<1x640x128xf32, #tpu.memory_space<hbm>> -> memref<640x128xf32, #tpu.memory_space<hbm>>
      %dma_start3A_18 = arith.constant 0 : i32
      %dma_start3A_19 = tpu.memref_slice %arg9[%mul3A_0, %dma_start3A_18] : memref<10240x128xf32, #tpu.memory_space<vmem_shared>> -> memref<640x128xf32, #tpu.memory_space<vmem_shared>>
      tpu.enqueue_dma source(%dma_start3A_19 : memref<640x128xf32, #tpu.memory_space<vmem_shared>>) target(%dma_start3A_17 : memref<640x128xf32, #tpu.memory_space<hbm>>) target_semaphore(%run_scoped3A : memref<!tpu.dma_semaphore, #tpu.memory_space<semaphore_mem>>)
      %dma_wait3A = arith.constant 0 : i32
      %dma_wait3A_20 = tpu.memref_slice %arg5[%arg0, %mul3A_0, %dma_wait3A] : memref<2x10240x128xf32, #tpu.memory_space<hbm>> -> memref<1x640x128xf32, #tpu.memory_space<hbm>>
      %dma_wait3A_21 = tpu.memref_squeeze %dma_wait3A_20 : memref<1x640x128xf32, #tpu.memory_space<hbm>> -> memref<640x128xf32, #tpu.memory_space<hbm>>
      %dma_wait3A_22 = arith.constant 0 : i32
      %dma_wait3A_23 = tpu.memref_slice %arg9[%mul3A_0, %dma_wait3A_22] : memref<10240x128xf32, #tpu.memory_space<vmem_shared>> -> memref<640x128xf32, #tpu.memory_space<vmem_shared>>
      tpu.wait_dma2 semaphore(%run_scoped3A : memref<!tpu.dma_semaphore, #tpu.memory_space<semaphore_mem>>) src(%dma_wait3A_23 : memref<640x128xf32, #tpu.memory_space<vmem_shared>>) dst(%dma_wait3A_21 : memref<640x128xf32, #tpu.memory_space<hbm>>)
      tpu.yield
    }) : () -> ()
    return
  }
}

#map = affine_map<(d0, d1) -> (0, 0)>
#map1 = affine_map<(d0, d1) -> (0, 0, 0, 0)>
#map2 = affine_map<(d0, d1) -> (0, 0, 0)>
module attributes {stable_mosaic.version = 14 : i64} {
  func.func @_sc_agg_body(%arg0: i32, %arg1: i32, %arg2: memref<20000x128xf32, #tpu.memory_space<hbm>>, %arg3: memref<16x5x25x80xi32, #tpu.memory_space<hbm>>, %arg4: memref<16x5x25x80xi32, #tpu.memory_space<hbm>>, %arg5: memref<2x10240x128xf32, #tpu.memory_space<hbm>>, %arg6: memref<25x80xi32, #tpu.memory_space<vmem>>, %arg7: memref<25x80xi32, #tpu.memory_space<vmem>>, %arg8: memref<80x128xf32, #tpu.memory_space<vmem>>, %arg9: memref<10240x128xf32, #tpu.memory_space<vmem_shared>>, %arg10: memref<!tpu.dma_semaphore, #tpu.memory_space<semaphore_mem>>) attributes {dimension_semantics = [#tpu.dimension_semantics<core_parallel>, #tpu.dimension_semantics<subcore_parallel>], iteration_bounds = array<i64: 2, 16>, scalar_prefetch = 0 : i64, scratch_operands = 5 : i64, tpu.core_type = #tpu.core_type<sc_vector_subcore>, window_params = [{transform_indices = #map}, {transform_indices = #map1}, {transform_indices = #map1}, {transform_indices = #map2}]} {
    %mul3A = arith.constant 640 : i32
    %mul3A_0 = arith.muli %arg1, %mul3A : i32
    %scan3A = arith.constant 0 : i32
    %scan3A_1 = arith.constant 80 : i32
    %scan3A_2 = arith.addi %scan3A, %scan3A_1 : i32
    %scan3A_3 = arith.constant 1 : i32
    scf.for %scan3A_16 = %scan3A to %scan3A_2 step %scan3A_3  : i32 {
      %mul3A_17 = arith.constant 1 : i32
      %mul3A_18 = arith.muli %scan3A_16, %mul3A_17 : i32
      %add3A = arith.constant 0 : i32
      %add3A_19 = arith.addi %add3A, %mul3A_18 : i32
      %scan3A_20 = arith.constant 0 : i32
      %scan3A_21 = arith.constant 8 : i32
      %scan3A_22 = arith.addi %scan3A_20, %scan3A_21 : i32
      %scan3A_23 = arith.constant 1 : i32
      scf.for %scan3A_25 = %scan3A_20 to %scan3A_22 step %scan3A_23  : i32 {
        %mul3A_26 = arith.constant 16 : i32
        %mul3A_27 = arith.muli %scan3A_25, %mul3A_26 : i32
        %add3A_28 = arith.constant 0 : i32
        %add3A_29 = arith.addi %add3A_28, %mul3A_27 : i32
        %broadcast_in_dim3A = arith.constant 0.000000e+00 : f32
        %broadcast_in_dim3A_30 = vector.broadcast %broadcast_in_dim3A : f32 to vector<16xf32>
        %swap3A = arith.index_cast %add3A_19 : i32 to index
        %swap3A_31 = arith.index_cast %add3A_29 : i32 to index
        %swap3A_32 = tpu.vector_load %arg8[%swap3A, %swap3A_31] {strides = array<i32>} : memref<80x128xf32, #tpu.memory_space<vmem>>, vector<1x16xf32>,
        %swap3A_33 = vector.shape_cast %swap3A_32 : vector<1x16xf32> to vector<16xf32>
        %swap3A_34 = vector.shape_cast %broadcast_in_dim3A_30 : vector<16xf32> to vector<1x16xf32>
        tpu.vector_store %arg8[%swap3A, %swap3A_31], %swap3A_34 {strides = array<i32>} : memref<80x128xf32, #tpu.memory_space<vmem>>, vector<1x16xf32>,
      }
      %scan3A_24 = arith.constant 8 : i32
    }
    %scan3A_4 = arith.constant 80 : i32
    %scan3A_5 = arith.constant 0 : i32
    %scan3A_6 = arith.constant 8 : i32
    %scan3A_7 = arith.addi %scan3A_5, %scan3A_6 : i32
    %scan3A_8 = arith.constant 1 : i32
    scf.for %scan3A_16 = %scan3A_5 to %scan3A_7 step %scan3A_8  : i32 {
      %mul3A_17 = arith.constant 80 : i32
      %mul3A_18 = arith.muli %scan3A_16, %mul3A_17 : i32
      %add3A = arith.constant 0 : i32
      %add3A_19 = arith.addi %add3A, %mul3A_18 : i32
      %add3A_20 = arith.addi %mul3A_0, %add3A_19 : i32
      "tpu.region"() ({
        %run_scoped3A = tpu.sem_alloc : memref<!tpu.dma_semaphore, #tpu.memory_space<semaphore_mem>>
        %dma_start3A = arith.constant 0 : i32
        %dma_start3A_21 = tpu.memref_slice %arg9[%add3A_20, %dma_start3A] : memref<10240x128xf32, #tpu.memory_space<vmem_shared>> -> memref<80x128xf32, #tpu.memory_space<vmem_shared>>
        %dma_start3A_22 = arith.constant 0 : i32
        %dma_start3A_23 = tpu.memref_slice %arg9[%add3A_20, %dma_start3A_22] : memref<10240x128xf32, #tpu.memory_space<vmem_shared>> -> memref<80x128xf32, #tpu.memory_space<vmem_shared>>
        tpu.enqueue_dma source(%arg8 : memref<80x128xf32, #tpu.memory_space<vmem>>) target(%dma_start3A_23 : memref<80x128xf32, #tpu.memory_space<vmem_shared>>) target_semaphore(%run_scoped3A : memref<!tpu.dma_semaphore, #tpu.memory_space<semaphore_mem>>)
        %dma_wait3A = arith.constant 0 : i32
        %dma_wait3A_24 = tpu.memref_slice %arg9[%add3A_20, %dma_wait3A] : memref<10240x128xf32, #tpu.memory_space<vmem_shared>> -> memref<80x128xf32, #tpu.memory_space<vmem_shared>>
        %dma_wait3A_25 = arith.constant 0 : i32
        %dma_wait3A_26 = tpu.memref_slice %arg9[%add3A_20, %dma_wait3A_25] : memref<10240x128xf32, #tpu.memory_space<vmem_shared>> -> memref<80x128xf32, #tpu.memory_space<vmem_shared>>
        tpu.wait_dma2 semaphore(%run_scoped3A : memref<!tpu.dma_semaphore, #tpu.memory_space<semaphore_mem>>) src(%arg8 : memref<80x128xf32, #tpu.memory_space<vmem>>) dst(%dma_wait3A_26 : memref<80x128xf32, #tpu.memory_space<vmem_shared>>)
        tpu.yield
      }) : () -> ()
    }
    %scan3A_9 = arith.constant 8 : i32
    %barrier3A = arith.constant 0 : index
    tpu.barrier barrier_id(%barrier3A)
    %scan3A_10 = arith.constant 0 : i32
    %scan3A_11 = arith.constant 5 : i32
    %scan3A_12 = arith.addi %scan3A_10, %scan3A_11 : i32
    %scan3A_13 = arith.constant 1 : i32
    scf.for %scan3A_16 = %scan3A_10 to %scan3A_12 step %scan3A_13  : i32 {
      %mul3A_17 = arith.constant 1 : i32
      %mul3A_18 = arith.muli %scan3A_16, %mul3A_17 : i32
      %add3A = arith.constant 0 : i32
      %add3A_19 = arith.addi %add3A, %mul3A_18 : i32
      "tpu.region"() ({
        %run_scoped3A = tpu.sem_alloc : memref<!tpu.dma_semaphore, #tpu.memory_space<semaphore_mem>>
        %dma_start3A = arith.constant 0 : i32
        %dma_start3A_30 = arith.constant 0 : i32
        %dma_start3A_31 = tpu.memref_slice %arg3[%arg1, %add3A_19, %dma_start3A, %dma_start3A_30] : memref<16x5x25x80xi32, #tpu.memory_space<hbm>> -> memref<1x1x25x80xi32, #tpu.memory_space<hbm>>
        %dma_start3A_32 = tpu.memref_squeeze %dma_start3A_31 : memref<1x1x25x80xi32, #tpu.memory_space<hbm>> -> memref<25x80xi32, #tpu.memory_space<hbm>>
        %dma_start3A_33 = arith.constant 0 : i32
        %dma_start3A_34 = arith.constant 0 : i32
        %dma_start3A_35 = tpu.memref_slice %arg3[%arg1, %add3A_19, %dma_start3A_33, %dma_start3A_34] : memref<16x5x25x80xi32, #tpu.memory_space<hbm>> -> memref<1x1x25x80xi32, #tpu.memory_space<hbm>>
        %dma_start3A_36 = tpu.memref_squeeze %dma_start3A_35 : memref<1x1x25x80xi32, #tpu.memory_space<hbm>> -> memref<25x80xi32, #tpu.memory_space<hbm>>
        tpu.enqueue_dma source(%dma_start3A_36 : memref<25x80xi32, #tpu.memory_space<hbm>>) target(%arg6 : memref<25x80xi32, #tpu.memory_space<vmem>>) target_semaphore(%run_scoped3A : memref<!tpu.dma_semaphore, #tpu.memory_space<semaphore_mem>>)
        %dma_wait3A = arith.constant 0 : i32
        %dma_wait3A_37 = arith.constant 0 : i32
        %dma_wait3A_38 = tpu.memref_slice %arg3[%arg1, %add3A_19, %dma_wait3A, %dma_wait3A_37] : memref<16x5x25x80xi32, #tpu.memory_space<hbm>> -> memref<1x1x25x80xi32, #tpu.memory_space<hbm>>
        %dma_wait3A_39 = tpu.memref_squeeze %dma_wait3A_38 : memref<1x1x25x80xi32, #tpu.memory_space<hbm>> -> memref<25x80xi32, #tpu.memory_space<hbm>>
        %dma_wait3A_40 = arith.constant 0 : i32
        %dma_wait3A_41 = arith.constant 0 : i32
        %dma_wait3A_42 = tpu.memref_slice %arg3[%arg1, %add3A_19, %dma_wait3A_40, %dma_wait3A_41] : memref<16x5x25x80xi32, #tpu.memory_space<hbm>> -> memref<1x1x25x80xi32, #tpu.memory_space<hbm>>
        %dma_wait3A_43 = tpu.memref_squeeze %dma_wait3A_42 : memref<1x1x25x80xi32, #tpu.memory_space<hbm>> -> memref<25x80xi32, #tpu.memory_space<hbm>>
        tpu.wait_dma2 semaphore(%run_scoped3A : memref<!tpu.dma_semaphore, #tpu.memory_space<semaphore_mem>>) src(%dma_wait3A_43 : memref<25x80xi32, #tpu.memory_space<hbm>>) dst(%arg6 : memref<25x80xi32, #tpu.memory_space<vmem>>)
        tpu.yield
      }) : () -> ()
      "tpu.region"() ({
        %run_scoped3A = tpu.sem_alloc : memref<!tpu.dma_semaphore, #tpu.memory_space<semaphore_mem>>
        %dma_start3A = arith.constant 0 : i32
        %dma_start3A_30 = arith.constant 0 : i32
        %dma_start3A_31 = tpu.memref_slice %arg4[%arg1, %add3A_19, %dma_start3A, %dma_start3A_30] : memref<16x5x25x80xi32, #tpu.memory_space<hbm>> -> memref<1x1x25x80xi32, #tpu.memory_space<hbm>>
        %dma_start3A_32 = tpu.memref_squeeze %dma_start3A_31 : memref<1x1x25x80xi32, #tpu.memory_space<hbm>> -> memref<25x80xi32, #tpu.memory_space<hbm>>
        %dma_start3A_33 = arith.constant 0 : i32
        %dma_start3A_34 = arith.constant 0 : i32
        %dma_start3A_35 = tpu.memref_slice %arg4[%arg1, %add3A_19, %dma_start3A_33, %dma_start3A_34] : memref<16x5x25x80xi32, #tpu.memory_space<hbm>> -> memref<1x1x25x80xi32, #tpu.memory_space<hbm>>
        %dma_start3A_36 = tpu.memref_squeeze %dma_start3A_35 : memref<1x1x25x80xi32, #tpu.memory_space<hbm>> -> memref<25x80xi32, #tpu.memory_space<hbm>>
        tpu.enqueue_dma source(%dma_start3A_36 : memref<25x80xi32, #tpu.memory_space<hbm>>) target(%arg7 : memref<25x80xi32, #tpu.memory_space<vmem>>) target_semaphore(%run_scoped3A : memref<!tpu.dma_semaphore, #tpu.memory_space<semaphore_mem>>)
        %dma_wait3A = arith.constant 0 : i32
        %dma_wait3A_37 = arith.constant 0 : i32
        %dma_wait3A_38 = tpu.memref_slice %arg4[%arg1, %add3A_19, %dma_wait3A, %dma_wait3A_37] : memref<16x5x25x80xi32, #tpu.memory_space<hbm>> -> memref<1x1x25x80xi32, #tpu.memory_space<hbm>>
        %dma_wait3A_39 = tpu.memref_squeeze %dma_wait3A_38 : memref<1x1x25x80xi32, #tpu.memory_space<hbm>> -> memref<25x80xi32, #tpu.memory_space<hbm>>
        %dma_wait3A_40 = arith.constant 0 : i32
        %dma_wait3A_41 = arith.constant 0 : i32
        %dma_wait3A_42 = tpu.memref_slice %arg4[%arg1, %add3A_19, %dma_wait3A_40, %dma_wait3A_41] : memref<16x5x25x80xi32, #tpu.memory_space<hbm>> -> memref<1x1x25x80xi32, #tpu.memory_space<hbm>>
        %dma_wait3A_43 = tpu.memref_squeeze %dma_wait3A_42 : memref<1x1x25x80xi32, #tpu.memory_space<hbm>> -> memref<25x80xi32, #tpu.memory_space<hbm>>
        tpu.wait_dma2 semaphore(%run_scoped3A : memref<!tpu.dma_semaphore, #tpu.memory_space<semaphore_mem>>) src(%dma_wait3A_43 : memref<25x80xi32, #tpu.memory_space<hbm>>) dst(%arg7 : memref<25x80xi32, #tpu.memory_space<vmem>>)
        tpu.yield
      }) : () -> ()
      %scan3A_20 = arith.constant 0 : i32
      %scan3A_21 = arith.constant 25 : i32
      %scan3A_22 = arith.addi %scan3A_20, %scan3A_21 : i32
      %scan3A_23 = arith.constant 1 : i32
      scf.for %scan3A_30 = %scan3A_20 to %scan3A_22 step %scan3A_23  : i32 {
        %mul3A_31 = arith.constant 1 : i32
        %mul3A_32 = arith.muli %scan3A_30, %mul3A_31 : i32
        %add3A_33 = arith.constant 0 : i32
        %add3A_34 = arith.addi %add3A_33, %mul3A_32 : i32
        %scan3A_35 = arith.constant 0 : i32
        %scan3A_36 = arith.constant 5 : i32
        %scan3A_37 = arith.addi %scan3A_35, %scan3A_36 : i32
        %scan3A_38 = arith.constant 1 : i32
        scf.for %scan3A_40 = %scan3A_35 to %scan3A_37 step %scan3A_38  : i32 {
          %mul3A_41 = arith.constant 16 : i32
          %mul3A_42 = arith.muli %scan3A_40, %mul3A_41 : i32
          %add3A_43 = arith.constant 0 : i32
          %add3A_44 = arith.addi %add3A_43, %mul3A_42 : i32
          %get3A = arith.index_cast %add3A_34 : i32 to index
          %get3A_45 = arith.index_cast %add3A_44 : i32 to index
          %get3A_46 = tpu.vector_load %arg6[%get3A, %get3A_45] {strides = array<i32>} : memref<25x80xi32, #tpu.memory_space<vmem>>, vector<1x16xi32>,
          %get3A_47 = vector.shape_cast %get3A_46 : vector<1x16xi32> to vector<16xi32>
          %mul3A_48 = arith.constant 2 : i32
          %mul3A_49 = vector.broadcast %mul3A_48 : i32 to vector<16xi32>
          %mul3A_50 = arith.muli %get3A_47, %mul3A_49 : vector<16xi32>
          %add3A_51 = vector.broadcast %arg0 : i32 to vector<16xi32>
          %add3A_52 = arith.addi %mul3A_50, %add3A_51 : vector<16xi32>
          %swap3A = arith.index_cast %add3A_34 : i32 to index
          %swap3A_53 = arith.index_cast %add3A_44 : i32 to index
          %swap3A_54 = tpu.vector_load %arg6[%swap3A, %swap3A_53] {strides = array<i32>} : memref<25x80xi32, #tpu.memory_space<vmem>>, vector<1x16xi32>,
          %swap3A_55 = vector.shape_cast %swap3A_54 : vector<1x16xi32> to vector<16xi32>
          %swap3A_56 = vector.shape_cast %add3A_52 : vector<16xi32> to vector<1x16xi32>
          tpu.vector_store %arg6[%swap3A, %swap3A_53], %swap3A_56 {strides = array<i32>} : memref<25x80xi32, #tpu.memory_space<vmem>>, vector<1x16xi32>,
        }
        %scan3A_39 = arith.constant 5 : i32
      }
      %scan3A_24 = arith.constant 25 : i32
      %scan3A_25 = arith.constant 0 : i32
      %scan3A_26 = arith.constant 25 : i32
      %scan3A_27 = arith.addi %scan3A_25, %scan3A_26 : i32
      %scan3A_28 = arith.constant 1 : i32
      scf.for %scan3A_30 = %scan3A_25 to %scan3A_27 step %scan3A_28  : i32 {
        %mul3A_31 = arith.constant 1 : i32
        %mul3A_32 = arith.muli %scan3A_30, %mul3A_31 : i32
        %add3A_33 = arith.constant 0 : i32
        %add3A_34 = arith.addi %add3A_33, %mul3A_32 : i32
        "tpu.region"() ({
          %run_scoped3A = tpu.sem_alloc : memref<!tpu.dma_semaphore, #tpu.memory_space<semaphore_mem>>
          %dma_start3A = arith.constant 0 : i32
          %dma_start3A_35 = tpu.memref_slice %arg6[%add3A_34, %dma_start3A] : memref<25x80xi32, #tpu.memory_space<vmem>> -> memref<1x80xi32, #tpu.memory_space<vmem>>
          %dma_start3A_36 = tpu.memref_squeeze %dma_start3A_35 : memref<1x80xi32, #tpu.memory_space<vmem>> -> memref<80xi32, #tpu.memory_space<vmem>>
          %dma_start3A_37 = arith.constant 0 : i32
          %dma_start3A_38 = arith.constant 0 : i32
          %dma_start3A_39 = tpu.memref_slice %arg2[%dma_start3A_37, %dma_start3A_38] : memref<20000x128xf32, #tpu.memory_space<hbm>> -> memref<20000x128xf32, #tpu.memory_space<hbm>>
          tpu.enqueue_indirect_dma source(%dma_start3A_39 : memref<20000x128xf32, #tpu.memory_space<hbm>>) target(%arg8 : memref<80x128xf32, #tpu.memory_space<vmem>>) offsets(%dma_start3A_36 : memref<80xi32, #tpu.memory_space<vmem>>) semaphore(%run_scoped3A : memref<!tpu.dma_semaphore, #tpu.memory_space<semaphore_mem>>)
          %dma_wait3A = arith.constant 0 : i32
          %dma_wait3A_40 = tpu.memref_slice %arg6[%add3A_34, %dma_wait3A] : memref<25x80xi32, #tpu.memory_space<vmem>> -> memref<1x80xi32, #tpu.memory_space<vmem>>
          %dma_wait3A_41 = tpu.memref_squeeze %dma_wait3A_40 : memref<1x80xi32, #tpu.memory_space<vmem>> -> memref<80xi32, #tpu.memory_space<vmem>>
          %dma_wait3A_42 = arith.constant 0 : i32
          %dma_wait3A_43 = arith.constant 0 : i32
          %dma_wait3A_44 = tpu.memref_slice %arg2[%dma_wait3A_42, %dma_wait3A_43] : memref<20000x128xf32, #tpu.memory_space<hbm>> -> memref<20000x128xf32, #tpu.memory_space<hbm>>
          tpu.wait_indirect_dma semaphore(%run_scoped3A : memref<!tpu.dma_semaphore, #tpu.memory_space<semaphore_mem>>) src(%dma_wait3A_44 : memref<20000x128xf32, #tpu.memory_space<hbm>>) dst(%arg8 : memref<80x128xf32, #tpu.memory_space<vmem>>)
          tpu.yield
        }) : () -> ()
        "tpu.region"() ({
          %run_scoped3A = tpu.sem_alloc : memref<!tpu.dma_semaphore, #tpu.memory_space<semaphore_mem>>
          %dma_start3A = arith.constant 0 : i32
          %dma_start3A_35 = tpu.memref_slice %arg7[%add3A_34, %dma_start3A] : memref<25x80xi32, #tpu.memory_space<vmem>> -> memref<1x80xi32, #tpu.memory_space<vmem>>
          %dma_start3A_36 = tpu.memref_squeeze %dma_start3A_35 : memref<1x80xi32, #tpu.memory_space<vmem>> -> memref<80xi32, #tpu.memory_space<vmem>>
          %dma_start3A_37 = arith.constant 0 : i32
          %dma_start3A_38 = arith.constant 0 : i32
          %dma_start3A_39 = tpu.memref_slice %arg9[%dma_start3A_37, %dma_start3A_38] : memref<10240x128xf32, #tpu.memory_space<vmem_shared>> -> memref<10240x128xf32, #tpu.memory_space<vmem_shared>>
          tpu.enqueue_indirect_dma source(%arg8 : memref<80x128xf32, #tpu.memory_space<vmem>>) target(%dma_start3A_39 : memref<10240x128xf32, #tpu.memory_space<vmem_shared>>) offsets(%dma_start3A_36 : memref<80xi32, #tpu.memory_space<vmem>>) semaphore(%run_scoped3A : memref<!tpu.dma_semaphore, #tpu.memory_space<semaphore_mem>>) {add = true}
          %dma_wait3A = arith.constant 0 : i32
          %dma_wait3A_40 = tpu.memref_slice %arg7[%add3A_34, %dma_wait3A] : memref<25x80xi32, #tpu.memory_space<vmem>> -> memref<1x80xi32, #tpu.memory_space<vmem>>
          %dma_wait3A_41 = tpu.memref_squeeze %dma_wait3A_40 : memref<1x80xi32, #tpu.memory_space<vmem>> -> memref<80xi32, #tpu.memory_space<vmem>>
          %dma_wait3A_42 = arith.constant 0 : i32
          %dma_wait3A_43 = arith.constant 0 : i32
          %dma_wait3A_44 = tpu.memref_slice %arg9[%dma_wait3A_42, %dma_wait3A_43] : memref<10240x128xf32, #tpu.memory_space<vmem_shared>> -> memref<10240x128xf32, #tpu.memory_space<vmem_shared>>
          tpu.wait_indirect_dma semaphore(%run_scoped3A : memref<!tpu.dma_semaphore, #tpu.memory_space<semaphore_mem>>) src(%arg8 : memref<80x128xf32, #tpu.memory_space<vmem>>) dst(%dma_wait3A_44 : memref<10240x128xf32, #tpu.memory_space<vmem_shared>>)
          tpu.yield
        }) : () -> ()
      }
      %scan3A_29 = arith.constant 25 : i32
    }
    %scan3A_14 = arith.constant 5 : i32
    %barrier3A_15 = arith.constant 0 : index
    tpu.barrier barrier_id(%barrier3A_15)
    "tpu.region"() ({
      %run_scoped3A = tpu.sem_alloc : memref<!tpu.dma_semaphore, #tpu.memory_space<semaphore_mem>>
      %dma_start3A = arith.constant 0 : i32
      %dma_start3A_16 = tpu.memref_slice %arg5[%arg0, %mul3A_0, %dma_start3A] : memref<2x10240x128xf32, #tpu.memory_space<hbm>> -> memref<1x640x128xf32, #tpu.memory_space<hbm>>
      %dma_start3A_17 = tpu.memref_squeeze %dma_start3A_16 : memref<1x640x128xf32, #tpu.memory_space<hbm>> -> memref<640x128xf32, #tpu.memory_space<hbm>>
      %dma_start3A_18 = arith.constant 0 : i32
      %dma_start3A_19 = tpu.memref_slice %arg9[%mul3A_0, %dma_start3A_18] : memref<10240x128xf32, #tpu.memory_space<vmem_shared>> -> memref<640x128xf32, #tpu.memory_space<vmem_shared>>
      tpu.enqueue_dma source(%dma_start3A_19 : memref<640x128xf32, #tpu.memory_space<vmem_shared>>) target(%dma_start3A_17 : memref<640x128xf32, #tpu.memory_space<hbm>>) target_semaphore(%run_scoped3A : memref<!tpu.dma_semaphore, #tpu.memory_space<semaphore_mem>>)
      %dma_wait3A = arith.constant 0 : i32
      %dma_wait3A_20 = tpu.memref_slice %arg5[%arg0, %mul3A_0, %dma_wait3A] : memref<2x10240x128xf32, #tpu.memory_space<hbm>> -> memref<1x640x128xf32, #tpu.memory_space<hbm>>
      %dma_wait3A_21 = tpu.memref_squeeze %dma_wait3A_20 : memref<1x640x128xf32, #tpu.memory_space<hbm>> -> memref<640x128xf32, #tpu.memory_space<hbm>>
      %dma_wait3A_22 = arith.constant 0 : i32
      %dma_wait3A_23 = tpu.memref_slice %arg9[%mul3A_0, %dma_wait3A_22] : memref<10240x128xf32, #tpu.memory_space<vmem_shared>> -> memref<640x128xf32, #tpu.memory_space<vmem_shared>>
      tpu.wait_dma2 semaphore(%run_scoped3A : memref<!tpu.dma_semaphore, #tpu.memory_space<semaphore_mem>>) src(%dma_wait3A_23 : memref<640x128xf32, #tpu.memory_space<vmem_shared>>) dst(%dma_wait3A_21 : memref<640x128xf32, #tpu.memory_space<hbm>>)
      tpu.yield
    }) : () -> ()
    return
  }
}

#map = affine_map<(d0, d1) -> (0, 0)>
#map1 = affine_map<(d0, d1) -> (0, 0, 0, 0)>
#map2 = affine_map<(d0, d1) -> (0, 0, 0)>
module attributes {stable_mosaic.version = 14 : i64} {
  func.func @_sc_agg_body(%arg0: i32, %arg1: i32, %arg2: memref<20000x128xf32, #tpu.memory_space<hbm>>, %arg3: memref<16x5x25x80xi32, #tpu.memory_space<hbm>>, %arg4: memref<16x5x25x80xi32, #tpu.memory_space<hbm>>, %arg5: memref<2x10240x128xf32, #tpu.memory_space<hbm>>, %arg6: memref<25x80xi32, #tpu.memory_space<vmem>>, %arg7: memref<25x80xi32, #tpu.memory_space<vmem>>, %arg8: memref<80x128xf32, #tpu.memory_space<vmem>>, %arg9: memref<10240x128xf32, #tpu.memory_space<vmem_shared>>, %arg10: memref<!tpu.dma_semaphore, #tpu.memory_space<semaphore_mem>>) attributes {dimension_semantics = [#tpu.dimension_semantics<core_parallel>, #tpu.dimension_semantics<subcore_parallel>], iteration_bounds = array<i64: 2, 16>, scalar_prefetch = 0 : i64, scratch_operands = 5 : i64, tpu.core_type = #tpu.core_type<sc_vector_subcore>, window_params = [{transform_indices = #map}, {transform_indices = #map1}, {transform_indices = #map1}, {transform_indices = #map2}]} {
    %mul3A = arith.constant 640 : i32
    %mul3A_0 = arith.muli %arg1, %mul3A : i32
    %scan3A = arith.constant 0 : i32
    %scan3A_1 = arith.constant 80 : i32
    %scan3A_2 = arith.addi %scan3A, %scan3A_1 : i32
    %scan3A_3 = arith.constant 1 : i32
    scf.for %scan3A_16 = %scan3A to %scan3A_2 step %scan3A_3  : i32 {
      %mul3A_17 = arith.constant 1 : i32
      %mul3A_18 = arith.muli %scan3A_16, %mul3A_17 : i32
      %add3A = arith.constant 0 : i32
      %add3A_19 = arith.addi %add3A, %mul3A_18 : i32
      %scan3A_20 = arith.constant 0 : i32
      %scan3A_21 = arith.constant 8 : i32
      %scan3A_22 = arith.addi %scan3A_20, %scan3A_21 : i32
      %scan3A_23 = arith.constant 1 : i32
      scf.for %scan3A_25 = %scan3A_20 to %scan3A_22 step %scan3A_23  : i32 {
        %mul3A_26 = arith.constant 16 : i32
        %mul3A_27 = arith.muli %scan3A_25, %mul3A_26 : i32
        %add3A_28 = arith.constant 0 : i32
        %add3A_29 = arith.addi %add3A_28, %mul3A_27 : i32
        %broadcast_in_dim3A = arith.constant 0.000000e+00 : f32
        %broadcast_in_dim3A_30 = vector.broadcast %broadcast_in_dim3A : f32 to vector<16xf32>
        %swap3A = arith.index_cast %add3A_19 : i32 to index
        %swap3A_31 = arith.index_cast %add3A_29 : i32 to index
        %swap3A_32 = tpu.vector_load %arg8[%swap3A, %swap3A_31] {strides = array<i32>} : memref<80x128xf32, #tpu.memory_space<vmem>>, vector<1x16xf32>,
        %swap3A_33 = vector.shape_cast %swap3A_32 : vector<1x16xf32> to vector<16xf32>
        %swap3A_34 = vector.shape_cast %broadcast_in_dim3A_30 : vector<16xf32> to vector<1x16xf32>
        tpu.vector_store %arg8[%swap3A, %swap3A_31], %swap3A_34 {strides = array<i32>} : memref<80x128xf32, #tpu.memory_space<vmem>>, vector<1x16xf32>,
      }
      %scan3A_24 = arith.constant 8 : i32
    }
    %scan3A_4 = arith.constant 80 : i32
    %scan3A_5 = arith.constant 0 : i32
    %scan3A_6 = arith.constant 8 : i32
    %scan3A_7 = arith.addi %scan3A_5, %scan3A_6 : i32
    %scan3A_8 = arith.constant 1 : i32
    scf.for %scan3A_16 = %scan3A_5 to %scan3A_7 step %scan3A_8  : i32 {
      %mul3A_17 = arith.constant 80 : i32
      %mul3A_18 = arith.muli %scan3A_16, %mul3A_17 : i32
      %add3A = arith.constant 0 : i32
      %add3A_19 = arith.addi %add3A, %mul3A_18 : i32
      %add3A_20 = arith.addi %mul3A_0, %add3A_19 : i32
      "tpu.region"() ({
        %run_scoped3A = tpu.sem_alloc : memref<!tpu.dma_semaphore, #tpu.memory_space<semaphore_mem>>
        %dma_start3A = arith.constant 0 : i32
        %dma_start3A_21 = tpu.memref_slice %arg9[%add3A_20, %dma_start3A] : memref<10240x128xf32, #tpu.memory_space<vmem_shared>> -> memref<80x128xf32, #tpu.memory_space<vmem_shared>>
        %dma_start3A_22 = arith.constant 0 : i32
        %dma_start3A_23 = tpu.memref_slice %arg9[%add3A_20, %dma_start3A_22] : memref<10240x128xf32, #tpu.memory_space<vmem_shared>> -> memref<80x128xf32, #tpu.memory_space<vmem_shared>>
        tpu.enqueue_dma source(%arg8 : memref<80x128xf32, #tpu.memory_space<vmem>>) target(%dma_start3A_23 : memref<80x128xf32, #tpu.memory_space<vmem_shared>>) target_semaphore(%run_scoped3A : memref<!tpu.dma_semaphore, #tpu.memory_space<semaphore_mem>>)
        %dma_wait3A = arith.constant 0 : i32
        %dma_wait3A_24 = tpu.memref_slice %arg9[%add3A_20, %dma_wait3A] : memref<10240x128xf32, #tpu.memory_space<vmem_shared>> -> memref<80x128xf32, #tpu.memory_space<vmem_shared>>
        %dma_wait3A_25 = arith.constant 0 : i32
        %dma_wait3A_26 = tpu.memref_slice %arg9[%add3A_20, %dma_wait3A_25] : memref<10240x128xf32, #tpu.memory_space<vmem_shared>> -> memref<80x128xf32, #tpu.memory_space<vmem_shared>>
        tpu.wait_dma2 semaphore(%run_scoped3A : memref<!tpu.dma_semaphore, #tpu.memory_space<semaphore_mem>>) src(%arg8 : memref<80x128xf32, #tpu.memory_space<vmem>>) dst(%dma_wait3A_26 : memref<80x128xf32, #tpu.memory_space<vmem_shared>>)
        tpu.yield
      }) : () -> ()
    }
    %scan3A_9 = arith.constant 8 : i32
    %barrier3A = arith.constant 0 : index
    tpu.barrier barrier_id(%barrier3A)
    %scan3A_10 = arith.constant 0 : i32
    %scan3A_11 = arith.constant 5 : i32
    %scan3A_12 = arith.addi %scan3A_10, %scan3A_11 : i32
    %scan3A_13 = arith.constant 1 : i32
    scf.for %scan3A_16 = %scan3A_10 to %scan3A_12 step %scan3A_13  : i32 {
      %mul3A_17 = arith.constant 1 : i32
      %mul3A_18 = arith.muli %scan3A_16, %mul3A_17 : i32
      %add3A = arith.constant 0 : i32
      %add3A_19 = arith.addi %add3A, %mul3A_18 : i32
      "tpu.region"() ({
        %run_scoped3A = tpu.sem_alloc : memref<!tpu.dma_semaphore, #tpu.memory_space<semaphore_mem>>
        %dma_start3A = arith.constant 0 : i32
        %dma_start3A_30 = arith.constant 0 : i32
        %dma_start3A_31 = tpu.memref_slice %arg3[%arg1, %add3A_19, %dma_start3A, %dma_start3A_30] : memref<16x5x25x80xi32, #tpu.memory_space<hbm>> -> memref<1x1x25x80xi32, #tpu.memory_space<hbm>>
        %dma_start3A_32 = tpu.memref_squeeze %dma_start3A_31 : memref<1x1x25x80xi32, #tpu.memory_space<hbm>> -> memref<25x80xi32, #tpu.memory_space<hbm>>
        %dma_start3A_33 = arith.constant 0 : i32
        %dma_start3A_34 = arith.constant 0 : i32
        %dma_start3A_35 = tpu.memref_slice %arg3[%arg1, %add3A_19, %dma_start3A_33, %dma_start3A_34] : memref<16x5x25x80xi32, #tpu.memory_space<hbm>> -> memref<1x1x25x80xi32, #tpu.memory_space<hbm>>
        %dma_start3A_36 = tpu.memref_squeeze %dma_start3A_35 : memref<1x1x25x80xi32, #tpu.memory_space<hbm>> -> memref<25x80xi32, #tpu.memory_space<hbm>>
        tpu.enqueue_dma source(%dma_start3A_36 : memref<25x80xi32, #tpu.memory_space<hbm>>) target(%arg6 : memref<25x80xi32, #tpu.memory_space<vmem>>) target_semaphore(%run_scoped3A : memref<!tpu.dma_semaphore, #tpu.memory_space<semaphore_mem>>)
        %dma_wait3A = arith.constant 0 : i32
        %dma_wait3A_37 = arith.constant 0 : i32
        %dma_wait3A_38 = tpu.memref_slice %arg3[%arg1, %add3A_19, %dma_wait3A, %dma_wait3A_37] : memref<16x5x25x80xi32, #tpu.memory_space<hbm>> -> memref<1x1x25x80xi32, #tpu.memory_space<hbm>>
        %dma_wait3A_39 = tpu.memref_squeeze %dma_wait3A_38 : memref<1x1x25x80xi32, #tpu.memory_space<hbm>> -> memref<25x80xi32, #tpu.memory_space<hbm>>
        %dma_wait3A_40 = arith.constant 0 : i32
        %dma_wait3A_41 = arith.constant 0 : i32
        %dma_wait3A_42 = tpu.memref_slice %arg3[%arg1, %add3A_19, %dma_wait3A_40, %dma_wait3A_41] : memref<16x5x25x80xi32, #tpu.memory_space<hbm>> -> memref<1x1x25x80xi32, #tpu.memory_space<hbm>>
        %dma_wait3A_43 = tpu.memref_squeeze %dma_wait3A_42 : memref<1x1x25x80xi32, #tpu.memory_space<hbm>> -> memref<25x80xi32, #tpu.memory_space<hbm>>
        tpu.wait_dma2 semaphore(%run_scoped3A : memref<!tpu.dma_semaphore, #tpu.memory_space<semaphore_mem>>) src(%dma_wait3A_43 : memref<25x80xi32, #tpu.memory_space<hbm>>) dst(%arg6 : memref<25x80xi32, #tpu.memory_space<vmem>>)
        tpu.yield
      }) : () -> ()
      "tpu.region"() ({
        %run_scoped3A = tpu.sem_alloc : memref<!tpu.dma_semaphore, #tpu.memory_space<semaphore_mem>>
        %dma_start3A = arith.constant 0 : i32
        %dma_start3A_30 = arith.constant 0 : i32
        %dma_start3A_31 = tpu.memref_slice %arg4[%arg1, %add3A_19, %dma_start3A, %dma_start3A_30] : memref<16x5x25x80xi32, #tpu.memory_space<hbm>> -> memref<1x1x25x80xi32, #tpu.memory_space<hbm>>
        %dma_start3A_32 = tpu.memref_squeeze %dma_start3A_31 : memref<1x1x25x80xi32, #tpu.memory_space<hbm>> -> memref<25x80xi32, #tpu.memory_space<hbm>>
        %dma_start3A_33 = arith.constant 0 : i32
        %dma_start3A_34 = arith.constant 0 : i32
        %dma_start3A_35 = tpu.memref_slice %arg4[%arg1, %add3A_19, %dma_start3A_33, %dma_start3A_34] : memref<16x5x25x80xi32, #tpu.memory_space<hbm>> -> memref<1x1x25x80xi32, #tpu.memory_space<hbm>>
        %dma_start3A_36 = tpu.memref_squeeze %dma_start3A_35 : memref<1x1x25x80xi32, #tpu.memory_space<hbm>> -> memref<25x80xi32, #tpu.memory_space<hbm>>
        tpu.enqueue_dma source(%dma_start3A_36 : memref<25x80xi32, #tpu.memory_space<hbm>>) target(%arg7 : memref<25x80xi32, #tpu.memory_space<vmem>>) target_semaphore(%run_scoped3A : memref<!tpu.dma_semaphore, #tpu.memory_space<semaphore_mem>>)
        %dma_wait3A = arith.constant 0 : i32
        %dma_wait3A_37 = arith.constant 0 : i32
        %dma_wait3A_38 = tpu.memref_slice %arg4[%arg1, %add3A_19, %dma_wait3A, %dma_wait3A_37] : memref<16x5x25x80xi32, #tpu.memory_space<hbm>> -> memref<1x1x25x80xi32, #tpu.memory_space<hbm>>
        %dma_wait3A_39 = tpu.memref_squeeze %dma_wait3A_38 : memref<1x1x25x80xi32, #tpu.memory_space<hbm>> -> memref<25x80xi32, #tpu.memory_space<hbm>>
        %dma_wait3A_40 = arith.constant 0 : i32
        %dma_wait3A_41 = arith.constant 0 : i32
        %dma_wait3A_42 = tpu.memref_slice %arg4[%arg1, %add3A_19, %dma_wait3A_40, %dma_wait3A_41] : memref<16x5x25x80xi32, #tpu.memory_space<hbm>> -> memref<1x1x25x80xi32, #tpu.memory_space<hbm>>
        %dma_wait3A_43 = tpu.memref_squeeze %dma_wait3A_42 : memref<1x1x25x80xi32, #tpu.memory_space<hbm>> -> memref<25x80xi32, #tpu.memory_space<hbm>>
        tpu.wait_dma2 semaphore(%run_scoped3A : memref<!tpu.dma_semaphore, #tpu.memory_space<semaphore_mem>>) src(%dma_wait3A_43 : memref<25x80xi32, #tpu.memory_space<hbm>>) dst(%arg7 : memref<25x80xi32, #tpu.memory_space<vmem>>)
        tpu.yield
      }) : () -> ()
      %scan3A_20 = arith.constant 0 : i32
      %scan3A_21 = arith.constant 25 : i32
      %scan3A_22 = arith.addi %scan3A_20, %scan3A_21 : i32
      %scan3A_23 = arith.constant 1 : i32
      scf.for %scan3A_30 = %scan3A_20 to %scan3A_22 step %scan3A_23  : i32 {
        %mul3A_31 = arith.constant 1 : i32
        %mul3A_32 = arith.muli %scan3A_30, %mul3A_31 : i32
        %add3A_33 = arith.constant 0 : i32
        %add3A_34 = arith.addi %add3A_33, %mul3A_32 : i32
        %scan3A_35 = arith.constant 0 : i32
        %scan3A_36 = arith.constant 5 : i32
        %scan3A_37 = arith.addi %scan3A_35, %scan3A_36 : i32
        %scan3A_38 = arith.constant 1 : i32
        scf.for %scan3A_40 = %scan3A_35 to %scan3A_37 step %scan3A_38  : i32 {
          %mul3A_41 = arith.constant 16 : i32
          %mul3A_42 = arith.muli %scan3A_40, %mul3A_41 : i32
          %add3A_43 = arith.constant 0 : i32
          %add3A_44 = arith.addi %add3A_43, %mul3A_42 : i32
          %get3A = arith.index_cast %add3A_34 : i32 to index
          %get3A_45 = arith.index_cast %add3A_44 : i32 to index
          %get3A_46 = tpu.vector_load %arg6[%get3A, %get3A_45] {strides = array<i32>} : memref<25x80xi32, #tpu.memory_space<vmem>>, vector<1x16xi32>,
          %get3A_47 = vector.shape_cast %get3A_46 : vector<1x16xi32> to vector<16xi32>
          %mul3A_48 = arith.constant 2 : i32
          %mul3A_49 = vector.broadcast %mul3A_48 : i32 to vector<16xi32>
          %mul3A_50 = arith.muli %get3A_47, %mul3A_49 : vector<16xi32>
          %add3A_51 = vector.broadcast %arg0 : i32 to vector<16xi32>
          %add3A_52 = arith.addi %mul3A_50, %add3A_51 : vector<16xi32>
          %swap3A = arith.index_cast %add3A_34 : i32 to index
          %swap3A_53 = arith.index_cast %add3A_44 : i32 to index
          %swap3A_54 = tpu.vector_load %arg6[%swap3A, %swap3A_53] {strides = array<i32>} : memref<25x80xi32, #tpu.memory_space<vmem>>, vector<1x16xi32>,
          %swap3A_55 = vector.shape_cast %swap3A_54 : vector<1x16xi32> to vector<16xi32>
          %swap3A_56 = vector.shape_cast %add3A_52 : vector<16xi32> to vector<1x16xi32>
          tpu.vector_store %arg6[%swap3A, %swap3A_53], %swap3A_56 {strides = array<i32>} : memref<25x80xi32, #tpu.memory_space<vmem>>, vector<1x16xi32>,
        }
        %scan3A_39 = arith.constant 5 : i32
      }
      %scan3A_24 = arith.constant 25 : i32
      %scan3A_25 = arith.constant 0 : i32
      %scan3A_26 = arith.constant 25 : i32
      %scan3A_27 = arith.addi %scan3A_25, %scan3A_26 : i32
      %scan3A_28 = arith.constant 1 : i32
      scf.for %scan3A_30 = %scan3A_25 to %scan3A_27 step %scan3A_28  : i32 {
        %mul3A_31 = arith.constant 1 : i32
        %mul3A_32 = arith.muli %scan3A_30, %mul3A_31 : i32
        %add3A_33 = arith.constant 0 : i32
        %add3A_34 = arith.addi %add3A_33, %mul3A_32 : i32
        "tpu.region"() ({
          %run_scoped3A = tpu.sem_alloc : memref<!tpu.dma_semaphore, #tpu.memory_space<semaphore_mem>>
          %dma_start3A = arith.constant 0 : i32
          %dma_start3A_35 = tpu.memref_slice %arg6[%add3A_34, %dma_start3A] : memref<25x80xi32, #tpu.memory_space<vmem>> -> memref<1x80xi32, #tpu.memory_space<vmem>>
          %dma_start3A_36 = tpu.memref_squeeze %dma_start3A_35 : memref<1x80xi32, #tpu.memory_space<vmem>> -> memref<80xi32, #tpu.memory_space<vmem>>
          %dma_start3A_37 = arith.constant 0 : i32
          %dma_start3A_38 = arith.constant 0 : i32
          %dma_start3A_39 = tpu.memref_slice %arg2[%dma_start3A_37, %dma_start3A_38] : memref<20000x128xf32, #tpu.memory_space<hbm>> -> memref<20000x128xf32, #tpu.memory_space<hbm>>
          tpu.enqueue_indirect_dma source(%dma_start3A_39 : memref<20000x128xf32, #tpu.memory_space<hbm>>) target(%arg8 : memref<80x128xf32, #tpu.memory_space<vmem>>) offsets(%dma_start3A_36 : memref<80xi32, #tpu.memory_space<vmem>>) semaphore(%run_scoped3A : memref<!tpu.dma_semaphore, #tpu.memory_space<semaphore_mem>>)
          %dma_wait3A = arith.constant 0 : i32
          %dma_wait3A_40 = tpu.memref_slice %arg6[%add3A_34, %dma_wait3A] : memref<25x80xi32, #tpu.memory_space<vmem>> -> memref<1x80xi32, #tpu.memory_space<vmem>>
          %dma_wait3A_41 = tpu.memref_squeeze %dma_wait3A_40 : memref<1x80xi32, #tpu.memory_space<vmem>> -> memref<80xi32, #tpu.memory_space<vmem>>
          %dma_wait3A_42 = arith.constant 0 : i32
          %dma_wait3A_43 = arith.constant 0 : i32
          %dma_wait3A_44 = tpu.memref_slice %arg2[%dma_wait3A_42, %dma_wait3A_43] : memref<20000x128xf32, #tpu.memory_space<hbm>> -> memref<20000x128xf32, #tpu.memory_space<hbm>>
          tpu.wait_indirect_dma semaphore(%run_scoped3A : memref<!tpu.dma_semaphore, #tpu.memory_space<semaphore_mem>>) src(%dma_wait3A_44 : memref<20000x128xf32, #tpu.memory_space<hbm>>) dst(%arg8 : memref<80x128xf32, #tpu.memory_space<vmem>>)
          tpu.yield
        }) : () -> ()
        "tpu.region"() ({
          %run_scoped3A = tpu.sem_alloc : memref<!tpu.dma_semaphore, #tpu.memory_space<semaphore_mem>>
          %dma_start3A = arith.constant 0 : i32
          %dma_start3A_35 = tpu.memref_slice %arg7[%add3A_34, %dma_start3A] : memref<25x80xi32, #tpu.memory_space<vmem>> -> memref<1x80xi32, #tpu.memory_space<vmem>>
          %dma_start3A_36 = tpu.memref_squeeze %dma_start3A_35 : memref<1x80xi32, #tpu.memory_space<vmem>> -> memref<80xi32, #tpu.memory_space<vmem>>
          %dma_start3A_37 = arith.constant 0 : i32
          %dma_start3A_38 = arith.constant 0 : i32
          %dma_start3A_39 = tpu.memref_slice %arg9[%dma_start3A_37, %dma_start3A_38] : memref<10240x128xf32, #tpu.memory_space<vmem_shared>> -> memref<10240x128xf32, #tpu.memory_space<vmem_shared>>
          tpu.enqueue_indirect_dma source(%arg8 : memref<80x128xf32, #tpu.memory_space<vmem>>) target(%dma_start3A_39 : memref<10240x128xf32, #tpu.memory_space<vmem_shared>>) offsets(%dma_start3A_36 : memref<80xi32, #tpu.memory_space<vmem>>) semaphore(%run_scoped3A : memref<!tpu.dma_semaphore, #tpu.memory_space<semaphore_mem>>) {add = true}
          %dma_wait3A = arith.constant 0 : i32
          %dma_wait3A_40 = tpu.memref_slice %arg7[%add3A_34, %dma_wait3A] : memref<25x80xi32, #tpu.memory_space<vmem>> -> memref<1x80xi32, #tpu.memory_space<vmem>>
          %dma_wait3A_41 = tpu.memref_squeeze %dma_wait3A_40 : memref<1x80xi32, #tpu.memory_space<vmem>> -> memref<80xi32, #tpu.memory_space<vmem>>
          %dma_wait3A_42 = arith.constant 0 : i32
          %dma_wait3A_43 = arith.constant 0 : i32
          %dma_wait3A_44 = tpu.memref_slice %arg9[%dma_wait3A_42, %dma_wait3A_43] : memref<10240x128xf32, #tpu.memory_space<vmem_shared>> -> memref<10240x128xf32, #tpu.memory_space<vmem_shared>>
          tpu.wait_indirect_dma semaphore(%run_scoped3A : memref<!tpu.dma_semaphore, #tpu.memory_space<semaphore_mem>>) src(%arg8 : memref<80x128xf32, #tpu.memory_space<vmem>>) dst(%dma_wait3A_44 : memref<10240x128xf32, #tpu.memory_space<vmem_shared>>)
          tpu.yield
        }) : () -> ()
      }
      %scan3A_29 = arith.constant 25 : i32
    }
    %scan3A_14 = arith.constant 5 : i32
    %barrier3A_15 = arith.constant 0 : index
    tpu.barrier barrier_id(%barrier3A_15)
    "tpu.region"() ({
      %run_scoped3A = tpu.sem_alloc : memref<!tpu.dma_semaphore, #tpu.memory_space<semaphore_mem>>
      %dma_start3A = arith.constant 0 : i32
      %dma_start3A_16 = tpu.memref_slice %arg5[%arg0, %mul3A_0, %dma_start3A] : memref<2x10240x128xf32, #tpu.memory_space<hbm>> -> memref<1x640x128xf32, #tpu.memory_space<hbm>>
      %dma_start3A_17 = tpu.memref_squeeze %dma_start3A_16 : memref<1x640x128xf32, #tpu.memory_space<hbm>> -> memref<640x128xf32, #tpu.memory_space<hbm>>
      %dma_start3A_18 = arith.constant 0 : i32
      %dma_start3A_19 = tpu.memref_slice %arg9[%mul3A_0, %dma_start3A_18] : memref<10240x128xf32, #tpu.memory_space<vmem_shared>> -> memref<640x128xf32, #tpu.memory_space<vmem_shared>>
      tpu.enqueue_dma source(%dma_start3A_19 : memref<640x128xf32, #tpu.memory_space<vmem_shared>>) target(%dma_start3A_17 : memref<640x128xf32, #tpu.memory_space<hbm>>) target_semaphore(%run_scoped3A : memref<!tpu.dma_semaphore, #tpu.memory_space<semaphore_mem>>)
      %dma_wait3A = arith.constant 0 : i32
      %dma_wait3A_20 = tpu.memref_slice %arg5[%arg0, %mul3A_0, %dma_wait3A] : memref<2x10240x128xf32, #tpu.memory_space<hbm>> -> memref<1x640x128xf32, #tpu.memory_space<hbm>>
      %dma_wait3A_21 = tpu.memref_squeeze %dma_wait3A_20 : memref<1x640x128xf32, #tpu.memory_space<hbm>> -> memref<640x128xf32, #tpu.memory_space<hbm>>
      %dma_wait3A_22 = arith.constant 0 : i32
      %dma_wait3A_23 = tpu.memref_slice %arg9[%mul3A_0, %dma_wait3A_22] : memref<10240x128xf32, #tpu.memory_space<vmem_shared>> -> memref<640x128xf32, #tpu.memory_space<vmem_shared>>
      tpu.wait_dma2 semaphore(%run_scoped3A : memref<!tpu.dma_semaphore, #tpu.memory_space<semaphore_mem>>) src(%dma_wait3A_23 : memref<640x128xf32, #tpu.memory_space<vmem_shared>>) dst(%dma_wait3A_21 : memref<640x128xf32, #tpu.memory_space<hbm>>)
      tpu.yield
    }) : () -> ()
    return
  }
}

#map = affine_map<(d0, d1) -> (0, 0)>
#map1 = affine_map<(d0, d1) -> (0, 0, 0, 0)>
#map2 = affine_map<(d0, d1) -> (0, 0, 0)>
module attributes {stable_mosaic.version = 14 : i64} {
  func.func @_sc_agg_body(%arg0: i32, %arg1: i32, %arg2: memref<20000x128xf32, #tpu.memory_space<hbm>>, %arg3: memref<16x5x25x80xi32, #tpu.memory_space<hbm>>, %arg4: memref<16x5x25x80xi32, #tpu.memory_space<hbm>>, %arg5: memref<2x10240x128xf32, #tpu.memory_space<hbm>>, %arg6: memref<25x80xi32, #tpu.memory_space<vmem>>, %arg7: memref<25x80xi32, #tpu.memory_space<vmem>>, %arg8: memref<80x128xf32, #tpu.memory_space<vmem>>, %arg9: memref<10240x128xf32, #tpu.memory_space<vmem_shared>>, %arg10: memref<!tpu.dma_semaphore, #tpu.memory_space<semaphore_mem>>) attributes {dimension_semantics = [#tpu.dimension_semantics<core_parallel>, #tpu.dimension_semantics<subcore_parallel>], iteration_bounds = array<i64: 2, 16>, scalar_prefetch = 0 : i64, scratch_operands = 5 : i64, tpu.core_type = #tpu.core_type<sc_vector_subcore>, window_params = [{transform_indices = #map}, {transform_indices = #map1}, {transform_indices = #map1}, {transform_indices = #map2}]} {
    %mul3A = arith.constant 640 : i32
    %mul3A_0 = arith.muli %arg1, %mul3A : i32
    %scan3A = arith.constant 0 : i32
    %scan3A_1 = arith.constant 80 : i32
    %scan3A_2 = arith.addi %scan3A, %scan3A_1 : i32
    %scan3A_3 = arith.constant 1 : i32
    scf.for %scan3A_16 = %scan3A to %scan3A_2 step %scan3A_3  : i32 {
      %mul3A_17 = arith.constant 1 : i32
      %mul3A_18 = arith.muli %scan3A_16, %mul3A_17 : i32
      %add3A = arith.constant 0 : i32
      %add3A_19 = arith.addi %add3A, %mul3A_18 : i32
      %scan3A_20 = arith.constant 0 : i32
      %scan3A_21 = arith.constant 8 : i32
      %scan3A_22 = arith.addi %scan3A_20, %scan3A_21 : i32
      %scan3A_23 = arith.constant 1 : i32
      scf.for %scan3A_25 = %scan3A_20 to %scan3A_22 step %scan3A_23  : i32 {
        %mul3A_26 = arith.constant 16 : i32
        %mul3A_27 = arith.muli %scan3A_25, %mul3A_26 : i32
        %add3A_28 = arith.constant 0 : i32
        %add3A_29 = arith.addi %add3A_28, %mul3A_27 : i32
        %broadcast_in_dim3A = arith.constant 0.000000e+00 : f32
        %broadcast_in_dim3A_30 = vector.broadcast %broadcast_in_dim3A : f32 to vector<16xf32>
        %swap3A = arith.index_cast %add3A_19 : i32 to index
        %swap3A_31 = arith.index_cast %add3A_29 : i32 to index
        %swap3A_32 = tpu.vector_load %arg8[%swap3A, %swap3A_31] {strides = array<i32>} : memref<80x128xf32, #tpu.memory_space<vmem>>, vector<1x16xf32>,
        %swap3A_33 = vector.shape_cast %swap3A_32 : vector<1x16xf32> to vector<16xf32>
        %swap3A_34 = vector.shape_cast %broadcast_in_dim3A_30 : vector<16xf32> to vector<1x16xf32>
        tpu.vector_store %arg8[%swap3A, %swap3A_31], %swap3A_34 {strides = array<i32>} : memref<80x128xf32, #tpu.memory_space<vmem>>, vector<1x16xf32>,
      }
      %scan3A_24 = arith.constant 8 : i32
    }
    %scan3A_4 = arith.constant 80 : i32
    %scan3A_5 = arith.constant 0 : i32
    %scan3A_6 = arith.constant 8 : i32
    %scan3A_7 = arith.addi %scan3A_5, %scan3A_6 : i32
    %scan3A_8 = arith.constant 1 : i32
    scf.for %scan3A_16 = %scan3A_5 to %scan3A_7 step %scan3A_8  : i32 {
      %mul3A_17 = arith.constant 80 : i32
      %mul3A_18 = arith.muli %scan3A_16, %mul3A_17 : i32
      %add3A = arith.constant 0 : i32
      %add3A_19 = arith.addi %add3A, %mul3A_18 : i32
      %add3A_20 = arith.addi %mul3A_0, %add3A_19 : i32
      "tpu.region"() ({
        %run_scoped3A = tpu.sem_alloc : memref<!tpu.dma_semaphore, #tpu.memory_space<semaphore_mem>>
        %dma_start3A = arith.constant 0 : i32
        %dma_start3A_21 = tpu.memref_slice %arg9[%add3A_20, %dma_start3A] : memref<10240x128xf32, #tpu.memory_space<vmem_shared>> -> memref<80x128xf32, #tpu.memory_space<vmem_shared>>
        %dma_start3A_22 = arith.constant 0 : i32
        %dma_start3A_23 = tpu.memref_slice %arg9[%add3A_20, %dma_start3A_22] : memref<10240x128xf32, #tpu.memory_space<vmem_shared>> -> memref<80x128xf32, #tpu.memory_space<vmem_shared>>
        tpu.enqueue_dma source(%arg8 : memref<80x128xf32, #tpu.memory_space<vmem>>) target(%dma_start3A_23 : memref<80x128xf32, #tpu.memory_space<vmem_shared>>) target_semaphore(%run_scoped3A : memref<!tpu.dma_semaphore, #tpu.memory_space<semaphore_mem>>)
        %dma_wait3A = arith.constant 0 : i32
        %dma_wait3A_24 = tpu.memref_slice %arg9[%add3A_20, %dma_wait3A] : memref<10240x128xf32, #tpu.memory_space<vmem_shared>> -> memref<80x128xf32, #tpu.memory_space<vmem_shared>>
        %dma_wait3A_25 = arith.constant 0 : i32
        %dma_wait3A_26 = tpu.memref_slice %arg9[%add3A_20, %dma_wait3A_25] : memref<10240x128xf32, #tpu.memory_space<vmem_shared>> -> memref<80x128xf32, #tpu.memory_space<vmem_shared>>
        tpu.wait_dma2 semaphore(%run_scoped3A : memref<!tpu.dma_semaphore, #tpu.memory_space<semaphore_mem>>) src(%arg8 : memref<80x128xf32, #tpu.memory_space<vmem>>) dst(%dma_wait3A_26 : memref<80x128xf32, #tpu.memory_space<vmem_shared>>)
        tpu.yield
      }) : () -> ()
    }
    %scan3A_9 = arith.constant 8 : i32
    %barrier3A = arith.constant 0 : index
    tpu.barrier barrier_id(%barrier3A)
    %scan3A_10 = arith.constant 0 : i32
    %scan3A_11 = arith.constant 5 : i32
    %scan3A_12 = arith.addi %scan3A_10, %scan3A_11 : i32
    %scan3A_13 = arith.constant 1 : i32
    scf.for %scan3A_16 = %scan3A_10 to %scan3A_12 step %scan3A_13  : i32 {
      %mul3A_17 = arith.constant 1 : i32
      %mul3A_18 = arith.muli %scan3A_16, %mul3A_17 : i32
      %add3A = arith.constant 0 : i32
      %add3A_19 = arith.addi %add3A, %mul3A_18 : i32
      "tpu.region"() ({
        %run_scoped3A = tpu.sem_alloc : memref<!tpu.dma_semaphore, #tpu.memory_space<semaphore_mem>>
        %dma_start3A = arith.constant 0 : i32
        %dma_start3A_30 = arith.constant 0 : i32
        %dma_start3A_31 = tpu.memref_slice %arg3[%arg1, %add3A_19, %dma_start3A, %dma_start3A_30] : memref<16x5x25x80xi32, #tpu.memory_space<hbm>> -> memref<1x1x25x80xi32, #tpu.memory_space<hbm>>
        %dma_start3A_32 = tpu.memref_squeeze %dma_start3A_31 : memref<1x1x25x80xi32, #tpu.memory_space<hbm>> -> memref<25x80xi32, #tpu.memory_space<hbm>>
        %dma_start3A_33 = arith.constant 0 : i32
        %dma_start3A_34 = arith.constant 0 : i32
        %dma_start3A_35 = tpu.memref_slice %arg3[%arg1, %add3A_19, %dma_start3A_33, %dma_start3A_34] : memref<16x5x25x80xi32, #tpu.memory_space<hbm>> -> memref<1x1x25x80xi32, #tpu.memory_space<hbm>>
        %dma_start3A_36 = tpu.memref_squeeze %dma_start3A_35 : memref<1x1x25x80xi32, #tpu.memory_space<hbm>> -> memref<25x80xi32, #tpu.memory_space<hbm>>
        tpu.enqueue_dma source(%dma_start3A_36 : memref<25x80xi32, #tpu.memory_space<hbm>>) target(%arg6 : memref<25x80xi32, #tpu.memory_space<vmem>>) target_semaphore(%run_scoped3A : memref<!tpu.dma_semaphore, #tpu.memory_space<semaphore_mem>>)
        %dma_wait3A = arith.constant 0 : i32
        %dma_wait3A_37 = arith.constant 0 : i32
        %dma_wait3A_38 = tpu.memref_slice %arg3[%arg1, %add3A_19, %dma_wait3A, %dma_wait3A_37] : memref<16x5x25x80xi32, #tpu.memory_space<hbm>> -> memref<1x1x25x80xi32, #tpu.memory_space<hbm>>
        %dma_wait3A_39 = tpu.memref_squeeze %dma_wait3A_38 : memref<1x1x25x80xi32, #tpu.memory_space<hbm>> -> memref<25x80xi32, #tpu.memory_space<hbm>>
        %dma_wait3A_40 = arith.constant 0 : i32
        %dma_wait3A_41 = arith.constant 0 : i32
        %dma_wait3A_42 = tpu.memref_slice %arg3[%arg1, %add3A_19, %dma_wait3A_40, %dma_wait3A_41] : memref<16x5x25x80xi32, #tpu.memory_space<hbm>> -> memref<1x1x25x80xi32, #tpu.memory_space<hbm>>
        %dma_wait3A_43 = tpu.memref_squeeze %dma_wait3A_42 : memref<1x1x25x80xi32, #tpu.memory_space<hbm>> -> memref<25x80xi32, #tpu.memory_space<hbm>>
        tpu.wait_dma2 semaphore(%run_scoped3A : memref<!tpu.dma_semaphore, #tpu.memory_space<semaphore_mem>>) src(%dma_wait3A_43 : memref<25x80xi32, #tpu.memory_space<hbm>>) dst(%arg6 : memref<25x80xi32, #tpu.memory_space<vmem>>)
        tpu.yield
      }) : () -> ()
      "tpu.region"() ({
        %run_scoped3A = tpu.sem_alloc : memref<!tpu.dma_semaphore, #tpu.memory_space<semaphore_mem>>
        %dma_start3A = arith.constant 0 : i32
        %dma_start3A_30 = arith.constant 0 : i32
        %dma_start3A_31 = tpu.memref_slice %arg4[%arg1, %add3A_19, %dma_start3A, %dma_start3A_30] : memref<16x5x25x80xi32, #tpu.memory_space<hbm>> -> memref<1x1x25x80xi32, #tpu.memory_space<hbm>>
        %dma_start3A_32 = tpu.memref_squeeze %dma_start3A_31 : memref<1x1x25x80xi32, #tpu.memory_space<hbm>> -> memref<25x80xi32, #tpu.memory_space<hbm>>
        %dma_start3A_33 = arith.constant 0 : i32
        %dma_start3A_34 = arith.constant 0 : i32
        %dma_start3A_35 = tpu.memref_slice %arg4[%arg1, %add3A_19, %dma_start3A_33, %dma_start3A_34] : memref<16x5x25x80xi32, #tpu.memory_space<hbm>> -> memref<1x1x25x80xi32, #tpu.memory_space<hbm>>
        %dma_start3A_36 = tpu.memref_squeeze %dma_start3A_35 : memref<1x1x25x80xi32, #tpu.memory_space<hbm>> -> memref<25x80xi32, #tpu.memory_space<hbm>>
        tpu.enqueue_dma source(%dma_start3A_36 : memref<25x80xi32, #tpu.memory_space<hbm>>) target(%arg7 : memref<25x80xi32, #tpu.memory_space<vmem>>) target_semaphore(%run_scoped3A : memref<!tpu.dma_semaphore, #tpu.memory_space<semaphore_mem>>)
        %dma_wait3A = arith.constant 0 : i32
        %dma_wait3A_37 = arith.constant 0 : i32
        %dma_wait3A_38 = tpu.memref_slice %arg4[%arg1, %add3A_19, %dma_wait3A, %dma_wait3A_37] : memref<16x5x25x80xi32, #tpu.memory_space<hbm>> -> memref<1x1x25x80xi32, #tpu.memory_space<hbm>>
        %dma_wait3A_39 = tpu.memref_squeeze %dma_wait3A_38 : memref<1x1x25x80xi32, #tpu.memory_space<hbm>> -> memref<25x80xi32, #tpu.memory_space<hbm>>
        %dma_wait3A_40 = arith.constant 0 : i32
        %dma_wait3A_41 = arith.constant 0 : i32
        %dma_wait3A_42 = tpu.memref_slice %arg4[%arg1, %add3A_19, %dma_wait3A_40, %dma_wait3A_41] : memref<16x5x25x80xi32, #tpu.memory_space<hbm>> -> memref<1x1x25x80xi32, #tpu.memory_space<hbm>>
        %dma_wait3A_43 = tpu.memref_squeeze %dma_wait3A_42 : memref<1x1x25x80xi32, #tpu.memory_space<hbm>> -> memref<25x80xi32, #tpu.memory_space<hbm>>
        tpu.wait_dma2 semaphore(%run_scoped3A : memref<!tpu.dma_semaphore, #tpu.memory_space<semaphore_mem>>) src(%dma_wait3A_43 : memref<25x80xi32, #tpu.memory_space<hbm>>) dst(%arg7 : memref<25x80xi32, #tpu.memory_space<vmem>>)
        tpu.yield
      }) : () -> ()
      %scan3A_20 = arith.constant 0 : i32
      %scan3A_21 = arith.constant 25 : i32
      %scan3A_22 = arith.addi %scan3A_20, %scan3A_21 : i32
      %scan3A_23 = arith.constant 1 : i32
      scf.for %scan3A_30 = %scan3A_20 to %scan3A_22 step %scan3A_23  : i32 {
        %mul3A_31 = arith.constant 1 : i32
        %mul3A_32 = arith.muli %scan3A_30, %mul3A_31 : i32
        %add3A_33 = arith.constant 0 : i32
        %add3A_34 = arith.addi %add3A_33, %mul3A_32 : i32
        %scan3A_35 = arith.constant 0 : i32
        %scan3A_36 = arith.constant 5 : i32
        %scan3A_37 = arith.addi %scan3A_35, %scan3A_36 : i32
        %scan3A_38 = arith.constant 1 : i32
        scf.for %scan3A_40 = %scan3A_35 to %scan3A_37 step %scan3A_38  : i32 {
          %mul3A_41 = arith.constant 16 : i32
          %mul3A_42 = arith.muli %scan3A_40, %mul3A_41 : i32
          %add3A_43 = arith.constant 0 : i32
          %add3A_44 = arith.addi %add3A_43, %mul3A_42 : i32
          %get3A = arith.index_cast %add3A_34 : i32 to index
          %get3A_45 = arith.index_cast %add3A_44 : i32 to index
          %get3A_46 = tpu.vector_load %arg6[%get3A, %get3A_45] {strides = array<i32>} : memref<25x80xi32, #tpu.memory_space<vmem>>, vector<1x16xi32>,
          %get3A_47 = vector.shape_cast %get3A_46 : vector<1x16xi32> to vector<16xi32>
          %mul3A_48 = arith.constant 2 : i32
          %mul3A_49 = vector.broadcast %mul3A_48 : i32 to vector<16xi32>
          %mul3A_50 = arith.muli %get3A_47, %mul3A_49 : vector<16xi32>
          %add3A_51 = vector.broadcast %arg0 : i32 to vector<16xi32>
          %add3A_52 = arith.addi %mul3A_50, %add3A_51 : vector<16xi32>
          %swap3A = arith.index_cast %add3A_34 : i32 to index
          %swap3A_53 = arith.index_cast %add3A_44 : i32 to index
          %swap3A_54 = tpu.vector_load %arg6[%swap3A, %swap3A_53] {strides = array<i32>} : memref<25x80xi32, #tpu.memory_space<vmem>>, vector<1x16xi32>,
          %swap3A_55 = vector.shape_cast %swap3A_54 : vector<1x16xi32> to vector<16xi32>
          %swap3A_56 = vector.shape_cast %add3A_52 : vector<16xi32> to vector<1x16xi32>
          tpu.vector_store %arg6[%swap3A, %swap3A_53], %swap3A_56 {strides = array<i32>} : memref<25x80xi32, #tpu.memory_space<vmem>>, vector<1x16xi32>,
        }
        %scan3A_39 = arith.constant 5 : i32
      }
      %scan3A_24 = arith.constant 25 : i32
      %scan3A_25 = arith.constant 0 : i32
      %scan3A_26 = arith.constant 25 : i32
      %scan3A_27 = arith.addi %scan3A_25, %scan3A_26 : i32
      %scan3A_28 = arith.constant 1 : i32
      scf.for %scan3A_30 = %scan3A_25 to %scan3A_27 step %scan3A_28  : i32 {
        %mul3A_31 = arith.constant 1 : i32
        %mul3A_32 = arith.muli %scan3A_30, %mul3A_31 : i32
        %add3A_33 = arith.constant 0 : i32
        %add3A_34 = arith.addi %add3A_33, %mul3A_32 : i32
        "tpu.region"() ({
          %run_scoped3A = tpu.sem_alloc : memref<!tpu.dma_semaphore, #tpu.memory_space<semaphore_mem>>
          %dma_start3A = arith.constant 0 : i32
          %dma_start3A_35 = tpu.memref_slice %arg6[%add3A_34, %dma_start3A] : memref<25x80xi32, #tpu.memory_space<vmem>> -> memref<1x80xi32, #tpu.memory_space<vmem>>
          %dma_start3A_36 = tpu.memref_squeeze %dma_start3A_35 : memref<1x80xi32, #tpu.memory_space<vmem>> -> memref<80xi32, #tpu.memory_space<vmem>>
          %dma_start3A_37 = arith.constant 0 : i32
          %dma_start3A_38 = arith.constant 0 : i32
          %dma_start3A_39 = tpu.memref_slice %arg2[%dma_start3A_37, %dma_start3A_38] : memref<20000x128xf32, #tpu.memory_space<hbm>> -> memref<20000x128xf32, #tpu.memory_space<hbm>>
          tpu.enqueue_indirect_dma source(%dma_start3A_39 : memref<20000x128xf32, #tpu.memory_space<hbm>>) target(%arg8 : memref<80x128xf32, #tpu.memory_space<vmem>>) offsets(%dma_start3A_36 : memref<80xi32, #tpu.memory_space<vmem>>) semaphore(%run_scoped3A : memref<!tpu.dma_semaphore, #tpu.memory_space<semaphore_mem>>)
          %dma_wait3A = arith.constant 0 : i32
          %dma_wait3A_40 = tpu.memref_slice %arg6[%add3A_34, %dma_wait3A] : memref<25x80xi32, #tpu.memory_space<vmem>> -> memref<1x80xi32, #tpu.memory_space<vmem>>
          %dma_wait3A_41 = tpu.memref_squeeze %dma_wait3A_40 : memref<1x80xi32, #tpu.memory_space<vmem>> -> memref<80xi32, #tpu.memory_space<vmem>>
          %dma_wait3A_42 = arith.constant 0 : i32
          %dma_wait3A_43 = arith.constant 0 : i32
          %dma_wait3A_44 = tpu.memref_slice %arg2[%dma_wait3A_42, %dma_wait3A_43] : memref<20000x128xf32, #tpu.memory_space<hbm>> -> memref<20000x128xf32, #tpu.memory_space<hbm>>
          tpu.wait_indirect_dma semaphore(%run_scoped3A : memref<!tpu.dma_semaphore, #tpu.memory_space<semaphore_mem>>) src(%dma_wait3A_44 : memref<20000x128xf32, #tpu.memory_space<hbm>>) dst(%arg8 : memref<80x128xf32, #tpu.memory_space<vmem>>)
          tpu.yield
        }) : () -> ()
        "tpu.region"() ({
          %run_scoped3A = tpu.sem_alloc : memref<!tpu.dma_semaphore, #tpu.memory_space<semaphore_mem>>
          %dma_start3A = arith.constant 0 : i32
          %dma_start3A_35 = tpu.memref_slice %arg7[%add3A_34, %dma_start3A] : memref<25x80xi32, #tpu.memory_space<vmem>> -> memref<1x80xi32, #tpu.memory_space<vmem>>
          %dma_start3A_36 = tpu.memref_squeeze %dma_start3A_35 : memref<1x80xi32, #tpu.memory_space<vmem>> -> memref<80xi32, #tpu.memory_space<vmem>>
          %dma_start3A_37 = arith.constant 0 : i32
          %dma_start3A_38 = arith.constant 0 : i32
          %dma_start3A_39 = tpu.memref_slice %arg9[%dma_start3A_37, %dma_start3A_38] : memref<10240x128xf32, #tpu.memory_space<vmem_shared>> -> memref<10240x128xf32, #tpu.memory_space<vmem_shared>>
          tpu.enqueue_indirect_dma source(%arg8 : memref<80x128xf32, #tpu.memory_space<vmem>>) target(%dma_start3A_39 : memref<10240x128xf32, #tpu.memory_space<vmem_shared>>) offsets(%dma_start3A_36 : memref<80xi32, #tpu.memory_space<vmem>>) semaphore(%run_scoped3A : memref<!tpu.dma_semaphore, #tpu.memory_space<semaphore_mem>>) {add = true}
          %dma_wait3A = arith.constant 0 : i32
          %dma_wait3A_40 = tpu.memref_slice %arg7[%add3A_34, %dma_wait3A] : memref<25x80xi32, #tpu.memory_space<vmem>> -> memref<1x80xi32, #tpu.memory_space<vmem>>
          %dma_wait3A_41 = tpu.memref_squeeze %dma_wait3A_40 : memref<1x80xi32, #tpu.memory_space<vmem>> -> memref<80xi32, #tpu.memory_space<vmem>>
          %dma_wait3A_42 = arith.constant 0 : i32
          %dma_wait3A_43 = arith.constant 0 : i32
          %dma_wait3A_44 = tpu.memref_slice %arg9[%dma_wait3A_42, %dma_wait3A_43] : memref<10240x128xf32, #tpu.memory_space<vmem_shared>> -> memref<10240x128xf32, #tpu.memory_space<vmem_shared>>
          tpu.wait_indirect_dma semaphore(%run_scoped3A : memref<!tpu.dma_semaphore, #tpu.memory_space<semaphore_mem>>) src(%arg8 : memref<80x128xf32, #tpu.memory_space<vmem>>) dst(%dma_wait3A_44 : memref<10240x128xf32, #tpu.memory_space<vmem_shared>>)
          tpu.yield
        }) : () -> ()
      }
      %scan3A_29 = arith.constant 25 : i32
    }
    %scan3A_14 = arith.constant 5 : i32
    %barrier3A_15 = arith.constant 0 : index
    tpu.barrier barrier_id(%barrier3A_15)
    "tpu.region"() ({
      %run_scoped3A = tpu.sem_alloc : memref<!tpu.dma_semaphore, #tpu.memory_space<semaphore_mem>>
      %dma_start3A = arith.constant 0 : i32
      %dma_start3A_16 = tpu.memref_slice %arg5[%arg0, %mul3A_0, %dma_start3A] : memref<2x10240x128xf32, #tpu.memory_space<hbm>> -> memref<1x640x128xf32, #tpu.memory_space<hbm>>
      %dma_start3A_17 = tpu.memref_squeeze %dma_start3A_16 : memref<1x640x128xf32, #tpu.memory_space<hbm>> -> memref<640x128xf32, #tpu.memory_space<hbm>>
      %dma_start3A_18 = arith.constant 0 : i32
      %dma_start3A_19 = tpu.memref_slice %arg9[%mul3A_0, %dma_start3A_18] : memref<10240x128xf32, #tpu.memory_space<vmem_shared>> -> memref<640x128xf32, #tpu.memory_space<vmem_shared>>
      tpu.enqueue_dma source(%dma_start3A_19 : memref<640x128xf32, #tpu.memory_space<vmem_shared>>) target(%dma_start3A_17 : memref<640x128xf32, #tpu.memory_space<hbm>>) target_semaphore(%run_scoped3A : memref<!tpu.dma_semaphore, #tpu.memory_space<semaphore_mem>>)
      %dma_wait3A = arith.constant 0 : i32
      %dma_wait3A_20 = tpu.memref_slice %arg5[%arg0, %mul3A_0, %dma_wait3A] : memref<2x10240x128xf32, #tpu.memory_space<hbm>> -> memref<1x640x128xf32, #tpu.memory_space<hbm>>
      %dma_wait3A_21 = tpu.memref_squeeze %dma_wait3A_20 : memref<1x640x128xf32, #tpu.memory_space<hbm>> -> memref<640x128xf32, #tpu.memory_space<hbm>>
      %dma_wait3A_22 = arith.constant 0 : i32
      %dma_wait3A_23 = tpu.memref_slice %arg9[%mul3A_0, %dma_wait3A_22] : memref<10240x128xf32, #tpu.memory_space<vmem_shared>> -> memref<640x128xf32, #tpu.memory_space<vmem_shared>>
      tpu.wait_dma2 semaphore(%run_scoped3A : memref<!tpu.dma_semaphore, #tpu.memory_space<semaphore_mem>>) src(%dma_wait3A_23 : memref<640x128xf32, #tpu.memory_space<vmem_shared>>) dst(%dma_wait3A_21 : memref<640x128xf32, #tpu.memory_space<hbm>>)
      tpu.yield
    }) : () -> ()
    return
  }
}

module attributes {stable_mosaic.version = 14 : i64} {
  func.func @tc_body(%arg0: i32, %arg1: memref<1000x256xf32, #tpu.memory_space<vmem>>, %arg2: memref<256x256xf32, #tpu.memory_space<vmem>>, %arg3: memref<1x256xf32, #tpu.memory_space<vmem>>, %arg4: memref<1000x256xf32, #tpu.memory_space<vmem>>) attributes {dimension_semantics = [#tpu.dimension_semantics<arbitrary>], iteration_bounds = array<i64: 10>, scalar_prefetch = 0 : i64, scratch_operands = 0 : i64, tpu.core_type = #tpu.core_type<tc>, window_params = [{transform_indices = @transform_0, window_bounds = array<i64: 1000, 256>}, {pipeline_mode = #tpu.pipeline_mode<synchronous>, transform_indices = @transform_1, window_bounds = array<i64: 256, 256>}, {pipeline_mode = #tpu.pipeline_mode<synchronous>, transform_indices = @transform_2, window_bounds = array<i64: 1, 256>}, {transform_indices = @transform_3, window_bounds = array<i64: 1000, 256>}]} {
    %get3A = arith.constant 0 : index
    %get3A_0 = arith.constant 0 : index
    %get3A_1 = vector.load %arg1[%get3A, %get3A_0] : memref<1000x256xf32, #tpu.memory_space<vmem>>, vector<1000x256xf32>
    %get3A_2 = arith.constant 0 : index
    %get3A_3 = arith.constant 0 : index
    %get3A_4 = vector.load %arg2[%get3A_2, %get3A_3] : memref<256x256xf32, #tpu.memory_space<vmem>>, vector<256x256xf32>
    %dot_general3A = arith.constant dense<0.000000e+00> : vector<1000x256xf32>
    %dot_general3A_5 = tpu.matmul %get3A_1, %get3A_4, %dot_general3A {dimension_numbers = #tpu.dot_dimension_numbers<[1], [0], [0], [1], [0, 0, 1, 1], [], []>, precision = #tpu.contract_precision<fp32>, transpose_lhs_hint = false} : vector<1000x256xf32>, vector<256x256xf32>, vector<1000x256xf32> -> vector<1000x256xf32>
    %get3A_6 = arith.constant 0 : index
    %get3A_7 = arith.constant 0 : index
    %get3A_8 = vector.load %arg3[%get3A_6, %get3A_7] : memref<1x256xf32, #tpu.memory_space<vmem>>, vector<1x256xf32>
    %add3A = vector.broadcast %get3A_8 : vector<1x256xf32> to vector<1000x256xf32>
    %add3A_9 = arith.addf %dot_general3A_5, %add3A : vector<1000x256xf32>
    %swap3A = arith.constant 0 : index
    %swap3A_10 = arith.constant 0 : index
    %swap3A_11 = vector.load %arg4[%swap3A, %swap3A_10] : memref<1000x256xf32, #tpu.memory_space<vmem>>, vector<1000x256xf32>
    tpu.vector_store %arg4[%swap3A, %swap3A_10], %add3A_9 {strides = array<i32>} : memref<1000x256xf32, #tpu.memory_space<vmem>>, vector<1000x256xf32>,
    return
  }
  func.func @transform_0(%arg0: i32) -> (i32, i32) {
    %c0_i32 = arith.constant 0 : i32
    %c0_i32_0 = arith.constant 0 : i32
    return %arg0, %c0_i32 : i32, i32
  }
  func.func @transform_1(%arg0: i32) -> (i32, i32) {
    %c0_i32 = arith.constant 0 : i32
    %c0_i32_0 = arith.constant 0 : i32
    %c0_i32_1 = arith.constant 0 : i32
    return %c0_i32, %c0_i32_0 : i32, i32
  }
  func.func @transform_2(%arg0: i32) -> (i32, i32) {
    %c0_i32 = arith.constant 0 : i32
    %c0_i32_0 = arith.constant 0 : i32
    %c0_i32_1 = arith.constant 0 : i32
    return %c0_i32, %c0_i32_0 : i32, i32
  }
  func.func @transform_3(%arg0: i32) -> (i32, i32) {
    %c0_i32 = arith.constant 0 : i32
    %c0_i32_0 = arith.constant 0 : i32
    return %arg0, %c0_i32 : i32, i32
  }
}

module attributes {stable_mosaic.version = 14 : i64} {
  func.func @tc_body(%arg0: i32, %arg1: memref<2x1000x128xf32, #tpu.memory_space<vmem>>, %arg2: memref<1000x16xf32, #tpu.memory_space<vmem>>, %arg3: memref<1000x256xf32, #tpu.memory_space<vmem>>, %arg4: memref<256x256xf32, #tpu.memory_space<vmem>>, %arg5: memref<1000x256xf32, #tpu.memory_space<vmem>>) attributes {dimension_semantics = [#tpu.dimension_semantics<arbitrary>], iteration_bounds = array<i64: 10>, scalar_prefetch = 0 : i64, scratch_operands = 0 : i64, tpu.core_type = #tpu.core_type<tc>, window_params = [{transform_indices = @transform_0, window_bounds = array<i64: 2, 1000, 128>}, {transform_indices = @transform_1, window_bounds = array<i64: 1000, 16>}, {transform_indices = @transform_2, window_bounds = array<i64: 1000, 256>}, {pipeline_mode = #tpu.pipeline_mode<synchronous>, transform_indices = @transform_3, window_bounds = array<i64: 256, 256>}, {transform_indices = @transform_4, window_bounds = array<i64: 1000, 256>}]} {
    %get3A = arith.constant 0 : index
    %get3A_0 = arith.constant 0 : index
    %get3A_1 = vector.load %arg2[%get3A, %get3A_0] : memref<1000x16xf32, #tpu.memory_space<vmem>>, vector<1000x1xf32>
    %max3A = arith.constant 1.000000e+00 : f32
    %max3A_2 = vector.broadcast %max3A : f32 to vector<1000x1xf32>
    %max3A_3 = arith.maximumf %get3A_1, %max3A_2 : vector<1000x1xf32>
    %div3A = arith.constant 1.000000e+00 : f32
    %div3A_4 = vector.broadcast %div3A : f32 to vector<1000x1xf32>
    %div3A_5 = arith.divf %div3A_4, %max3A_3 : vector<1000x1xf32>
    %get3A_6 = arith.constant 0 : index
    %get3A_7 = arith.constant 0 : index
    %get3A_8 = arith.constant 0 : index
    %get3A_9 = vector.load %arg1[%get3A_6, %get3A_7, %get3A_8] : memref<2x1000x128xf32, #tpu.memory_space<vmem>>, vector<1x1000x128xf32>
    %get3A_10 = vector.shape_cast %get3A_9 : vector<1x1000x128xf32> to vector<1000x128xf32>
    %mul3A = vector.broadcast %div3A_5 : vector<1000x1xf32> to vector<1000x128xf32>
    %mul3A_11 = arith.mulf %get3A_10, %mul3A : vector<1000x128xf32>
    %get3A_12 = arith.constant 1 : index
    %get3A_13 = arith.constant 0 : index
    %get3A_14 = arith.constant 0 : index
    %get3A_15 = vector.load %arg1[%get3A_12, %get3A_13, %get3A_14] : memref<2x1000x128xf32, #tpu.memory_space<vmem>>, vector<1x1000x128xf32>
    %get3A_16 = vector.shape_cast %get3A_15 : vector<1x1000x128xf32> to vector<1000x128xf32>
    %mul3A_17 = vector.broadcast %div3A_5 : vector<1000x1xf32> to vector<1000x128xf32>
    %mul3A_18 = arith.mulf %get3A_16, %mul3A_17 : vector<1000x128xf32>
    %get3A_19 = arith.constant 0 : index
    %get3A_20 = arith.constant 0 : index
    %get3A_21 = vector.load %arg4[%get3A_19, %get3A_20] : memref<256x256xf32, #tpu.memory_space<vmem>>, vector<128x256xf32>
    %dot_general3A = arith.constant dense<0.000000e+00> : vector<1000x256xf32>
    %dot_general3A_22 = tpu.matmul %mul3A_11, %get3A_21, %dot_general3A {dimension_numbers = #tpu.dot_dimension_numbers<[1], [0], [0], [1], [0, 0, 1, 1], [], []>, precision = #tpu.contract_precision<fp32>, transpose_lhs_hint = false} : vector<1000x128xf32>, vector<128x256xf32>, vector<1000x256xf32> -> vector<1000x256xf32>
    %get3A_23 = arith.constant 128 : index
    %get3A_24 = arith.constant 0 : index
    %get3A_25 = vector.load %arg4[%get3A_23, %get3A_24] : memref<256x256xf32, #tpu.memory_space<vmem>>, vector<128x256xf32>
    %dot_general3A_26 = arith.constant dense<0.000000e+00> : vector<1000x256xf32>
    %dot_general3A_27 = tpu.matmul %mul3A_18, %get3A_25, %dot_general3A_26 {dimension_numbers = #tpu.dot_dimension_numbers<[1], [0], [0], [1], [0, 0, 1, 1], [], []>, precision = #tpu.contract_precision<fp32>, transpose_lhs_hint = false} : vector<1000x128xf32>, vector<128x256xf32>, vector<1000x256xf32> -> vector<1000x256xf32>
    %add3A = arith.addf %dot_general3A_22, %dot_general3A_27 : vector<1000x256xf32>
    %get3A_28 = arith.constant 0 : index
    %get3A_29 = arith.constant 0 : index
    %get3A_30 = vector.load %arg3[%get3A_28, %get3A_29] : memref<1000x256xf32, #tpu.memory_space<vmem>>, vector<1000x256xf32>
    %add3A_31 = arith.addf %add3A, %get3A_30 : vector<1000x256xf32>
    %reduce_max3A = arith.constant dense<0xFF800000> : vector<1000xf32>
    %reduce_max3A_32 = vector.multi_reduction <maximumf>, %add3A_31, %reduce_max3A [1] : vector<1000x256xf32> to vector<1000xf32>
    %broadcast_in_dim3A = vector.shape_cast %reduce_max3A_32 : vector<1000xf32> to vector<1000x1xf32>
    %sub3A = vector.broadcast %broadcast_in_dim3A : vector<1000x1xf32> to vector<1000x256xf32>
    %sub3A_33 = arith.subf %add3A_31, %sub3A : vector<1000x256xf32>
    %exp3A = math.exp %sub3A_33 : vector<1000x256xf32>
    %reduce_sum3A = arith.constant dense<0.000000e+00> : vector<1000xf32>
    %reduce_sum3A_34 = vector.multi_reduction <add>, %exp3A, %reduce_sum3A [1] : vector<1000x256xf32> to vector<1000xf32>
    %broadcast_in_dim3A_35 = vector.shape_cast %reduce_sum3A_34 : vector<1000xf32> to vector<1000x1xf32>
    %div3A_36 = vector.broadcast %broadcast_in_dim3A_35 : vector<1000x1xf32> to vector<1000x256xf32>
    %div3A_37 = arith.divf %exp3A, %div3A_36 : vector<1000x256xf32>
    %swap3A = arith.constant 0 : index
    %swap3A_38 = arith.constant 0 : index
    %swap3A_39 = vector.load %arg5[%swap3A, %swap3A_38] : memref<1000x256xf32, #tpu.memory_space<vmem>>, vector<1000x256xf32>
    tpu.vector_store %arg5[%swap3A, %swap3A_38], %div3A_37 {strides = array<i32>} : memref<1000x256xf32, #tpu.memory_space<vmem>>, vector<1000x256xf32>,
    return
  }
  func.func @transform_0(%arg0: i32) -> (i32, i32, i32) {
    %c0_i32 = arith.constant 0 : i32
    %c0_i32_0 = arith.constant 0 : i32
    %c0_i32_1 = arith.constant 0 : i32
    return %c0_i32, %arg0, %c0_i32_0 : i32, i32, i32
  }
  func.func @transform_1(%arg0: i32) -> (i32, i32) {
    %c0_i32 = arith.constant 0 : i32
    %c0_i32_0 = arith.constant 0 : i32
    return %arg0, %c0_i32 : i32, i32
  }
  func.func @transform_2(%arg0: i32) -> (i32, i32) {
    %c0_i32 = arith.constant 0 : i32
    %c0_i32_0 = arith.constant 0 : i32
    return %arg0, %c0_i32 : i32, i32
  }
  func.func @transform_3(%arg0: i32) -> (i32, i32) {
    %c0_i32 = arith.constant 0 : i32
    %c0_i32_0 = arith.constant 0 : i32
    %c0_i32_1 = arith.constant 0 : i32
    return %c0_i32, %c0_i32_0 : i32, i32
  }
  func.func @transform_4(%arg0: i32) -> (i32, i32) {
    %c0_i32 = arith.constant 0 : i32
    %c0_i32_0 = arith.constant 0 : i32
    return %arg0, %c0_i32 : i32, i32
  }
}

module attributes {stable_mosaic.version = 14 : i64} {
  func.func @tc_body(%arg0: i32, %arg1: memref<2x1000x128xf32, #tpu.memory_space<vmem>>, %arg2: memref<1000x16xf32, #tpu.memory_space<vmem>>, %arg3: memref<1000x256xf32, #tpu.memory_space<vmem>>, %arg4: memref<256x256xf32, #tpu.memory_space<vmem>>, %arg5: memref<1000x256xf32, #tpu.memory_space<vmem>>) attributes {dimension_semantics = [#tpu.dimension_semantics<arbitrary>], iteration_bounds = array<i64: 10>, scalar_prefetch = 0 : i64, scratch_operands = 0 : i64, tpu.core_type = #tpu.core_type<tc>, window_params = [{transform_indices = @transform_0, window_bounds = array<i64: 2, 1000, 128>}, {transform_indices = @transform_1, window_bounds = array<i64: 1000, 16>}, {transform_indices = @transform_2, window_bounds = array<i64: 1000, 256>}, {pipeline_mode = #tpu.pipeline_mode<synchronous>, transform_indices = @transform_3, window_bounds = array<i64: 256, 256>}, {transform_indices = @transform_4, window_bounds = array<i64: 1000, 256>}]} {
    %get3A = arith.constant 0 : index
    %get3A_0 = arith.constant 0 : index
    %get3A_1 = vector.load %arg2[%get3A, %get3A_0] : memref<1000x16xf32, #tpu.memory_space<vmem>>, vector<1000x1xf32>
    %max3A = arith.constant 1.000000e+00 : f32
    %max3A_2 = vector.broadcast %max3A : f32 to vector<1000x1xf32>
    %max3A_3 = arith.maximumf %get3A_1, %max3A_2 : vector<1000x1xf32>
    %div3A = arith.constant 1.000000e+00 : f32
    %div3A_4 = vector.broadcast %div3A : f32 to vector<1000x1xf32>
    %div3A_5 = arith.divf %div3A_4, %max3A_3 : vector<1000x1xf32>
    %get3A_6 = arith.constant 0 : index
    %get3A_7 = arith.constant 0 : index
    %get3A_8 = arith.constant 0 : index
    %get3A_9 = vector.load %arg1[%get3A_6, %get3A_7, %get3A_8] : memref<2x1000x128xf32, #tpu.memory_space<vmem>>, vector<1x1000x128xf32>
    %get3A_10 = vector.shape_cast %get3A_9 : vector<1x1000x128xf32> to vector<1000x128xf32>
    %mul3A = vector.broadcast %div3A_5 : vector<1000x1xf32> to vector<1000x128xf32>
    %mul3A_11 = arith.mulf %get3A_10, %mul3A : vector<1000x128xf32>
    %get3A_12 = arith.constant 1 : index
    %get3A_13 = arith.constant 0 : index
    %get3A_14 = arith.constant 0 : index
    %get3A_15 = vector.load %arg1[%get3A_12, %get3A_13, %get3A_14] : memref<2x1000x128xf32, #tpu.memory_space<vmem>>, vector<1x1000x128xf32>
    %get3A_16 = vector.shape_cast %get3A_15 : vector<1x1000x128xf32> to vector<1000x128xf32>
    %mul3A_17 = vector.broadcast %div3A_5 : vector<1000x1xf32> to vector<1000x128xf32>
    %mul3A_18 = arith.mulf %get3A_16, %mul3A_17 : vector<1000x128xf32>
    %get3A_19 = arith.constant 0 : index
    %get3A_20 = arith.constant 0 : index
    %get3A_21 = vector.load %arg4[%get3A_19, %get3A_20] : memref<256x256xf32, #tpu.memory_space<vmem>>, vector<128x256xf32>
    %dot_general3A = arith.constant dense<0.000000e+00> : vector<1000x256xf32>
    %dot_general3A_22 = tpu.matmul %mul3A_11, %get3A_21, %dot_general3A {dimension_numbers = #tpu.dot_dimension_numbers<[1], [0], [0], [1], [0, 0, 1, 1], [], []>, precision = #tpu.contract_precision<fp32>, transpose_lhs_hint = false} : vector<1000x128xf32>, vector<128x256xf32>, vector<1000x256xf32> -> vector<1000x256xf32>
    %get3A_23 = arith.constant 128 : index
    %get3A_24 = arith.constant 0 : index
    %get3A_25 = vector.load %arg4[%get3A_23, %get3A_24] : memref<256x256xf32, #tpu.memory_space<vmem>>, vector<128x256xf32>
    %dot_general3A_26 = arith.constant dense<0.000000e+00> : vector<1000x256xf32>
    %dot_general3A_27 = tpu.matmul %mul3A_18, %get3A_25, %dot_general3A_26 {dimension_numbers = #tpu.dot_dimension_numbers<[1], [0], [0], [1], [0, 0, 1, 1], [], []>, precision = #tpu.contract_precision<fp32>, transpose_lhs_hint = false} : vector<1000x128xf32>, vector<128x256xf32>, vector<1000x256xf32> -> vector<1000x256xf32>
    %add3A = arith.addf %dot_general3A_22, %dot_general3A_27 : vector<1000x256xf32>
    %get3A_28 = arith.constant 0 : index
    %get3A_29 = arith.constant 0 : index
    %get3A_30 = vector.load %arg3[%get3A_28, %get3A_29] : memref<1000x256xf32, #tpu.memory_space<vmem>>, vector<1000x256xf32>
    %add3A_31 = arith.addf %add3A, %get3A_30 : vector<1000x256xf32>
    %reduce_max3A = arith.constant dense<0xFF800000> : vector<1000xf32>
    %reduce_max3A_32 = vector.multi_reduction <maximumf>, %add3A_31, %reduce_max3A [1] : vector<1000x256xf32> to vector<1000xf32>
    %broadcast_in_dim3A = vector.shape_cast %reduce_max3A_32 : vector<1000xf32> to vector<1000x1xf32>
    %sub3A = vector.broadcast %broadcast_in_dim3A : vector<1000x1xf32> to vector<1000x256xf32>
    %sub3A_33 = arith.subf %add3A_31, %sub3A : vector<1000x256xf32>
    %exp3A = math.exp %sub3A_33 : vector<1000x256xf32>
    %reduce_sum3A = arith.constant dense<0.000000e+00> : vector<1000xf32>
    %reduce_sum3A_34 = vector.multi_reduction <add>, %exp3A, %reduce_sum3A [1] : vector<1000x256xf32> to vector<1000xf32>
    %broadcast_in_dim3A_35 = vector.shape_cast %reduce_sum3A_34 : vector<1000xf32> to vector<1000x1xf32>
    %div3A_36 = vector.broadcast %broadcast_in_dim3A_35 : vector<1000x1xf32> to vector<1000x256xf32>
    %div3A_37 = arith.divf %exp3A, %div3A_36 : vector<1000x256xf32>
    %swap3A = arith.constant 0 : index
    %swap3A_38 = arith.constant 0 : index
    %swap3A_39 = vector.load %arg5[%swap3A, %swap3A_38] : memref<1000x256xf32, #tpu.memory_space<vmem>>, vector<1000x256xf32>
    tpu.vector_store %arg5[%swap3A, %swap3A_38], %div3A_37 {strides = array<i32>} : memref<1000x256xf32, #tpu.memory_space<vmem>>, vector<1000x256xf32>,
    return
  }
  func.func @transform_0(%arg0: i32) -> (i32, i32, i32) {
    %c0_i32 = arith.constant 0 : i32
    %c0_i32_0 = arith.constant 0 : i32
    %c0_i32_1 = arith.constant 0 : i32
    return %c0_i32, %arg0, %c0_i32_0 : i32, i32, i32
  }
  func.func @transform_1(%arg0: i32) -> (i32, i32) {
    %c0_i32 = arith.constant 0 : i32
    %c0_i32_0 = arith.constant 0 : i32
    return %arg0, %c0_i32 : i32, i32
  }
  func.func @transform_2(%arg0: i32) -> (i32, i32) {
    %c0_i32 = arith.constant 0 : i32
    %c0_i32_0 = arith.constant 0 : i32
    return %arg0, %c0_i32 : i32, i32
  }
  func.func @transform_3(%arg0: i32) -> (i32, i32) {
    %c0_i32 = arith.constant 0 : i32
    %c0_i32_0 = arith.constant 0 : i32
    %c0_i32_1 = arith.constant 0 : i32
    return %c0_i32, %c0_i32_0 : i32, i32
  }
  func.func @transform_4(%arg0: i32) -> (i32, i32) {
    %c0_i32 = arith.constant 0 : i32
    %c0_i32_0 = arith.constant 0 : i32
    return %arg0, %c0_i32 : i32, i32
  }
}

</mosaic_0001>

<sc_bundles>
// kernel: kernel.12.cloned.1.call-start
scs
__scs_entry_jumppad:
0x0: {  	(pc) =	sbr.rel $0x88, $3  }
0x1: {  	(tag) =	ssettag $0x0;
	lr =	simm.s32 $0x1  }
0x2: {  	[smem:$0x3F96] =	sst lr;
	_ =	strace $0xD0000000  }
0x3: {  	_ = 	snop  }
0x4: {  	_ = 	snop  }
0x5: {  	_ = 	snop  }
0x6: {  	_ = 	snop  }
0x7: {  	_ = 	snop  }
__scs_overlays_trampoline_lowered:
0x8: {  	[smem:$0x3FA5] =	sst s0  }
0x9: {  	[smem:$0x3FA6] =	sst s1  }
0xa: {  	[smem:$0x3FA7] =	sst s2  }
0xb: {  	[smem:$0x3FA8] =	sst s3  }
0xc: {  	[smem:$0x3FA9] =	sst s4  }
0xd: {  	[smem:$0x3FAA] =	sst s5  }
0xe: {  	[smem:$0x3FAB] =	sst s6  }
0xf: {  	[smem:$0x3FAC] =	sst s7  }
0x10: {  	[smem:$0x3FAD] =	sst s8  }
0x11: {  	[smem:$0x3FAE] =	sst s9;
	s0 =	simm.s32 @!p0 $0x0  }
0x12: {  	s1 =	sld [smem:$0x3F94];
	s0 =	simm.s32 @p0 $0x1  }
0x13: {  	[smem:$0x3FAF] =	sst s0;
	s0 =	simm.s32 @!p1 $0x0  }
0x14: {  	s2 =	sld [smem:$0x3F93];
	s0 =	simm.s32 @p1 $0x1  }
0x15: {  	[smem:$0x3FB0] =	sst s0;
	s0 =	simm.s32 @!p2 $0x0  }
0x16: {  	s3 =	sld [smem:$0x3FDB];
	s0 =	simm.s32 @p2 $0x1  }
0x17: {  	s4 =	simm.s32 $0x1BF5;
	[smem:$0x3FB2] =	sst s0  }
0x18: {  	s0 =	sld [smem:$0x3F95];
	_ =	swait.ge [sflag:s4], $0x0  }
0x19: {  	s7 =	sld [smem:$0x3F96]  }
0x1a: {  	s8 =	sadd.s32 $0xFFFFE003, lr  }
0x1b: {  	s9 =	sadd.s32 $0xFFFFFEF7, lr;
	s5 =	simm.s32 $0xFFFFFFFF;
	p2 =	slt.u32 s8, $0xFFFFF086  }
0x1c: {  	p1 =	slt.u32 s9, $0xF7A;
	s5 =	simm.s32 @!p2 $0x0  }
0x1d: {  	s5 =	simm.s32 @p1 $0x1;
	p0 =	seq.s32 s7, s2  }
0x1e: {  	s7 =	smul.u32 @!p0 $0xF7A, s2;
	p2 =	seq.s32 @!p0 s5, $0x0  }
0x1f: {  	s9 =	smul.u32 $0xF7A, s1;
	s8 =	simm.s32 @!p0 $0x1BF5;
	p2 =	por !p2, p0  }
0x20: {  	[sflag:s8] =	ssyncset.s32 @!p0 $0xFFFFF086;
	s6 =	sadd.s32 @!p0 s3, s7;
	s7 =	simm.s32 @!p0 $0x108  }
0x21: {  	s3 =	sadd.s32 s3, s9;
	s6 =	sadd.s32 @!p0 $0x88, s6;
	s7 =	simm.s32 @p2 $0x1082  }
0x22: {  	[simem:s7], [sflag:s8] =	dma.local @!p0 [hbm:s6], $0xF7A  }
0x23: {  	s9 =	sor.u32 $0xD0000000, s2;
	s6 =	simm.s32 $0x108;
	_ =	swait.ge @!p0 [sflag:s8], $0x0  }
0x24: {  	s3 =	sadd.s32 $0x88, s3;
	s6 =	simm.s32 @!p1 $0x1082;
	[sflag:s4] =	ssyncset.s32 $0xFFFFF086  }
0x25: {  	[simem:s6], [sflag:s4] =	dma.local [hbm:s3], $0xF7A  }
0x26: {  	[smem:$0x3F96] =	sst s1;
	(tag) =	ssettag s2;
	_ =	strace s9  }
0x27: {  	s1 =	sld [smem:$0x3FA6]  }
0x28: {  	s2 =	sld [smem:$0x3FA7]  }
0x29: {  	s4 =	sld [smem:$0x3FA9]  }
0x2a: {  	p0 =	seq.s32 s5, $0x0;
	s5 =	sld [smem:$0x3FAA]  }
0x2b: {  	s6 =	sld [smem:$0x3FAB]  }
0x2c: {  	s7 =	sld [smem:$0x3FAC]  }
0x2d: {  	s3 =	simm.s32 $0x108;
	s8 =	sld [smem:$0x3FAD]  }
0x2e: {  	s3 =	simm.s32 @!p0 $0x1082;
	s9 =	sld [smem:$0x3FAE]  }
0x2f: {  	lr =	sadd.s32 s0, s3;
	s0 =	sld [smem:$0x3FA5]  }
0x30: {  	s3 =	sld [smem:$0x3FA8]  }
0x31: {  	[smem:$0x3FB1] =	sst s10  }
0x32: {  	s10 =	sld [smem:$0x3FAF];
	_ =	sdelay $0x3  }
0x33: {  	p0 =	seq.s32 s10, $0x1;
	s10 =	sld [smem:$0x3FB1];
	_ =	sdelay $0x3  }
0x34: {  	[smem:$0x3FB1] =	sst s10  }
0x35: {  	s10 =	sld [smem:$0x3FB0];
	_ =	sdelay $0x3  }
0x36: {  	p1 =	seq.s32 s10, $0x1;
	s10 =	sld [smem:$0x3FB1];
	_ =	sdelay $0x3  }
0x37: {  	[smem:$0x3FB1] =	sst s10  }
0x38: {  	s10 =	sld [smem:$0x3FB2]  }
0x39: {  	_ = 	snop;
	(pc) =	sbr.ind lr, $3  }
0x3a: {  	_ = 	snop  }
0x3b: {  	_ = 	snop  }
0x3c: {  	p2 =	seq.s32 s10, $0x1;
	s10 =	sld [smem:$0x3FB1]  }
0x3d: {  	_ =	shalt  }
0x3e: {  	_ =	shalt  }
0x3f: {  	_ =	shalt  }
0x40: {  	_ =	shalt  }
0x41: {  	_ =	shalt  }
0x42: {  	_ =	shalt  }
0x43: {  	_ =	shalt  }
0x44: {  	_ =	shalt  }
0x45: {  	_ =	shalt  }
0x46: {  	_ =	shalt  }
0x47: {  	_ =	shalt  }
0x48: {  	_ =	shalt  }
0x49: {  	_ =	shalt  }
0x4a: {  	_ =	shalt  }
0x4b: {  	_ =	shalt  }
0x4c: {  	_ =	shalt  }
0x4d: {  	_ =	shalt  }
0x4e: {  	_ =	shalt  }
0x4f: {  	_ =	shalt  }
0x50: {  	_ =	shalt  }
0x51: {  	_ =	shalt  }
0x52: {  	_ =	shalt  }
0x53: {  	_ =	shalt  }
0x54: {  	_ =	shalt  }
0x55: {  	_ =	shalt  }
0x56: {  	_ =	shalt  }
0x57: {  	_ =	shalt  }
0x58: {  	_ =	shalt  }
0x59: {  	_ =	shalt  }
0x5a: {  	_ =	shalt  }
0x5b: {  	_ =	shalt  }
0x5c: {  	_ =	shalt  }
0x5d: {  	_ =	shalt  }
0x5e: {  	_ =	shalt  }
0x5f: {  	_ =	shalt  }
0x60: {  	_ =	shalt  }
0x61: {  	_ =	shalt  }
0x62: {  	_ =	shalt  }
0x63: {  	_ =	shalt  }
0x64: {  	_ =	shalt  }
0x65: {  	_ =	shalt  }
0x66: {  	_ =	shalt  }
0x67: {  	_ =	shalt  }
0x68: {  	_ =	shalt  }
0x69: {  	_ =	shalt  }
0x6a: {  	_ =	shalt  }
0x6b: {  	_ =	shalt  }
0x6c: {  	_ =	shalt  }
0x6d: {  	_ =	shalt  }
0x6e: {  	_ =	shalt  }
0x6f: {  	_ =	shalt  }
0x70: {  	_ =	shalt  }
0x71: {  	_ =	shalt  }
0x72: {  	_ =	shalt  }
0x73: {  	_ =	shalt  }
0x74: {  	_ =	shalt  }
0x75: {  	_ =	shalt  }
0x76: {  	_ =	shalt  }
0x77: {  	_ =	shalt  }
0x78: {  	_ =	shalt  }
0x79: {  	_ =	shalt  }
0x7a: {  	_ =	shalt  }
0x7b: {  	_ =	shalt  }
0x7c: {  	_ =	shalt  }
0x7d: {  	_ =	shalt  }
0x7e: {  	_ =	shalt  }
0x7f: {  	_ =	shalt  }
0x80: {  	_ =	shalt  }
0x81: {  	_ =	shalt  }
0x82: {  	_ =	shalt  }
0x83: {  	_ =	shalt  }
0x84: {  	_ =	shalt  }
0x85: {  	_ =	shalt  }
0x86: {  	_ =	shalt  }
0x87: {  	_ =	shalt  }
.Lfunc_end0:
.L_simem_size_0:
called_computation_lowered:
.L_overlay_start_0:
0x88: {  	s2 =	sld [smem:$0x3FD9]  }
0x89: {  	s3 =	sld [smem:$0x3FFE];
	_ =	sdelay $0x1  }
0x8a: {  	s1 =	srdreg.scid  }
0x8b: {  	s0 =	sand.u32 $0x1, s1  }
0x8c: {  	s16 =	sshll.u32 s0, $0xA;
	s2 =	sadd.s32 s3, s2  }
0x8d: {  	s2 =	sadd.s32 s2, s16  }
0x8e: {  	[smem:$0x3FBD] =	sst s2  }
0x8f: {  	_ = 	snop  }
0x90: {  	(tm) =	ssettm $0x1  }
0x91: {  	s17 =	sld [smem:$0x3FFB];
	_ =	sdelay $0x3  }
0x92: {  	_ =	strace s17  }
0x93: {  	s2 =	sld [smem:$0x3FFC];
	_ =	sdelay $0x3  }
0x94: {  	_ =	strace s2  }
0x95: {  	s2 =	sld [smem:$0x3FFD];
	_ =	sdelay $0x3  }
0x96: {  	_ =	strace s2  }
0x97: {  	_ =	strace $0x8FFFFFFF  }
0x98: {  	s18 =	sld [smem:$0x3FDB];
	_ =	sdelay $0x1  }
0x99: {  	s19 =	simm.s32 $_scs_section_size  }
0x9a: {  	s4 =	simm.s32 $_size__tile_overlayer_lowered;
	s5 =	simm.s32 $_tile_overlayer_lowered  }
0x9b: {  	s22 =	simm.s32 $0x1BFF;
	s21 =	sshll.u32 s5, $0x1;
	s2 =	sadd.s32 s19, s18  }
0x9c: {  	s6 =	simm.s32 $0x0;
	s20 =	sshll.u32 s4, $0x1;
	s4 =	sadd.s32 s21, s2  }
0x9d: {  	[timem:s6], [sflag:s22] =	dma.local [hbm:s4], s20  }
0x9e: {  	_ =	swait.ge [sflag:s22], s20  }
0x9f: {  	s3 =	ssub.s32 $0x0, s20;
	[sflag:s22] =	ssyncset.done $0x0  }
0xa0: {  	[sflag:s22] =	ssyncadd.s32 s3;
	_ =	sdelay $0x1  }
0xa1: {  	s23 =	simm.s32 $0x1B8B  }
0xa2: {  	_ =	swait.ge [sflag:s23], $0x1  }
0xa3: {  	[sflag:s23] =	ssyncset.done $0x0  }
0xa4: {  	s25 =	simm.s32 $0x1B8E;
	s24 =	sld [smem:$0x3FFE];
	[sflag:s23] =	ssyncadd.s32 $0xFFFFFFFF  }
0xa5: {  	s26 =	simm.s32 $execute0_lowered;
	[smem:$0x3FD2] =	sst s25  }
0xa6: {  	s4 =	sshll.u32 s26, $0x1;
	_ =	strace $0x80000046;
	[dreg:$0x1] =	wrdreg $0xFFFFFFFF  }
0xa7: {  	s28 =	simm.s32 $_size_execute0_lowered;
	s2 =	sadd.s32 s2, s4;
	[dreg:$0x0] =	wrdreg $0x0  }
0xa8: {  	s4 =	sshll.u32 s28, $0x1;
	[dreg:$0x2] =	wrdreg s2  }
0xa9: {  	[dreg:$0x3] =	wrdreg s4  }
0xaa: {  	[dreg:$0x4] =	wrdreg $0xC0  }
0xab: {  	_ =	task [dreg:s6], $0x5FFFF  }
0xac: {  	[dreg:$0x1] =	wrdreg $0xFFFFFFFF  }
0xad: {  	[dreg:$0x0] =	wrdreg $0x60  }
0xae: {  	[dreg:$0x2] =	wrdreg s24  }
0xaf: {  	[dreg:$0x3] =	wrdreg $0x48000  }
0xb0: {  	[dreg:$0x4] =	wrdreg $0x9  }
0xb1: {  	_ =	task.clear_ibuf [dreg:s6], $0x5FFFF;
	_ =	strace $0x90000046  }
0xb2: {  	s29 =	simm.s32 $0x9;
	_ =	strace $0x80000048  }
0xb3: {  	_ =	swait.ge [sflag:s29], $0x1  }
0xb4: {  	[sflag:s29] =	ssyncadd.s32 $0xFFFFFFFF  }
0xb5: {  	_ =	strace $0x90000048  }
0xb6: {  	_ =	sfence  }
0xb7: {  	s30 =	sld [smem:$0x0];
	_ =	sdelay $0x2  }
0xb8: {  	s31 =	sshll.u32 s1, $0xD;
	s1 =	sshrl.u32 s1, $0x2  }
0xb9: {  	s3 =	sand.u32 $0x4000, s31;
	s1 =	sadd.s32 s1, s30  }
0xba: {  	s0 =	sor.u32 s3, s0;
	s1 =	sshll.u32 s1, $0x11  }
0xbb: {  	s0 =	sor.u32 s1, s0  }
0xbc: {  	s0 =	sadd.s32 $0x8F2B, s0  }
0xbd: {  	[sflag:s0] =	ssyncadd.remote.s32 $0x1  }
0xbe: {  	_ =	sfence.sel $0xFFFF  }
0xbf: {  	[dreg:$0x0] =	wrdreg $0xFFFFFFFF;
	(pc) =	sbr.abs _section_cstart, $3  }
0xc0: {  	[dreg:$0x1] =	wrdreg $0xFFFFFFFF  }
0xc1: {  	_ =	task.clear_ibuf [dreg:s6], $0x2FFFF;
	_ =	strace $0x9FFFFFFF  }
0xc2: {  	(tm) =	ssettm $0x7FFFFFFF  }
0xc3: {  	_ =	shalt  }
tec
execute0_lowered:
.L_overlay_start_1:
0x0: {  	(tag) =	ssettag $0x1  }
0x1: {  	s7 =	rddreg [dreg:$0x0]  }
0x2: {  	s1 =	rddreg [dreg:$0x1]  }
0x3: {  	s2 =	srdreg.scid;
	s0 =	rddreg [dreg:$0x2]  }
0x4: {  	s3 =	simm.s32 $0x0;
	s18 =	simm.s32 $0x2000;
	s19 =	simm.s32 $0x1  }
0x5: {  	s20 =	simm.s32 $0x1000;
	s21 =	sand.u32 $0x1, s2;
	s2 =	stileid.u32  }
0x6: {  	s23 =	simm.s32 $0x0;
	[smem:$0x7FF] =	sst s3;
	s6 =	smul.u32 $0x140000, s21  }
0x7: {  	s4 =	sadd.s32 $0x16E00, s7;
	s5 =	sadd.s32 $0x2E00, s7;
	s8 =	smul.u32 $0x14000, s2  }
0x8: {  	_ =	strace $0x80000047;
	s9 =	ssub.s32 $0x2, s21;
	s10 =	smul.u32 $0x50000, s2  }
0x9: {  	s22 =	sshll.u32 s2, $0x6;
	v0 =	vmov s21;
	s21 =	simm.s32 $0x50;
	s11 =	sshrl.u32 s9, $0x1  }
0xa: {  	s22 =	sor.u32 $0x1C01, s22;
	s8 =	sadd.s32 s8, s6;
	s6 =	sadd.s32 $0xCE00, s7  }
0xb: {  	s11 =	ssub.s32 s9, s11;
	s31 =	sshrl.u32 s10, $0x2;
	s8 =	sshrl.u32 s8, $0x3  }
0xc: {  	s9 =	sadd.s32 s31, s1;
	s10 =	smax.u32 s11, $0x1;
	s8 =	sadd.s32 s8, s7  }
0xd: {  	s7 =	smul.u32 $0x5000, s2;
	s11 =	sadd.s32 $0x2800, s9;
	s12 =	sadd.s32 $0x5000, s9  }
0xe: {  	s13 =	sadd.s32 $0x7800, s9;
	s14 =	sadd.s32 $0xA000, s9;
	s15 =	sadd.s32 $0xC800, s9  }
0xf: {  	v1 =	vimm.f32 $0.0e+00;
	s16 =	sadd.s32 $0xF000, s9;
	s17 =	sadd.s32 $0x11800, s9;
	s8 =	sadd.s32 $0x65000, s8  }
.LBB2_1:
0x10: {  	s24 =	simm.s32 $0x70;
	s25 =	simm.s32 $0x3C0  }
.LBB2_2:
0x11: {  	p0 =	sne.s32 s25, $0x9FC0;
	[tilespmem:s24+$0x2000] =	vst v1  }
0x12: {  	[tilespmem:s24+$0x1F90] =	vst v1  }
0x13: {  	[tilespmem:s24+$0x1FA0] =	vst v1  }
.Ltmp0:
0x14: {  	[tilespmem:s24+$0x1FB0] =	vst v1;
	(pc) =	sbr.rel @p0 .LBB2_2-.Ltmp0, $4  }
0x15: {  	[tilespmem:s24+$0x1FC0] =	vst v1  }
0x16: {  	[tilespmem:s24+$0x1FD0] =	vst v1  }
0x17: {  	[tilespmem:s24+$0x1FE0] =	vst v1  }
0x18: {  	[tilespmem:s24+$0x1FF0] =	vst v1;
	s24 =	sshra.s32 s25, $0x2;
	s25 =	sadd.s32 $0x200, s25  }
0x19: {  	[tilespmem:s24+$0x2000] =	vst v1  }
0x1a: {  	[tilespmem:s24+$0x1F90] =	vst v1  }
0x1b: {  	[tilespmem:s24+$0x1FA0] =	vst v1  }
0x1c: {  	[tilespmem:s24+$0x1FB0] =	vst v1  }
0x1d: {  	[tilespmem:s24+$0x1FC0] =	vst v1  }
0x1e: {  	[tilespmem:s24+$0x1FD0] =	vst v1  }
0x1f: {  	[tilespmem:s24+$0x1FE0] =	vst v1  }
0x20: {  	[tilespmem:s24+$0x1FF0] =	vst v1  }
0x21: {  	[spmem:s9] =	stream.linear.scatter [tilespmem:s18], [sflag:$0x1], $0x2800, $0x38;
	[tilespmem:$0x18800] =	vst v63  }
0x22: {  	_ =	swait.ge [sflag:s19], $0x2800  }
0x23: {  	[sflag:s19] =	ssyncset.done $0x0  }
0x24: {  	[sflag:s19] =	ssyncadd.s32 $0xFFFFD800  }
0x25: {  	[spmem:s11] =	stream.linear.scatter [tilespmem:s18], [sflag:$0x1], $0x2800, $0x38;
	[tilespmem:$0x18800] =	vst v63  }
0x26: {  	_ =	swait.ge [sflag:s19], $0x2800  }
0x27: {  	[sflag:s19] =	ssyncset.done $0x0  }
0x28: {  	[sflag:s19] =	ssyncadd.s32 $0xFFFFD800  }
0x29: {  	[spmem:s12] =	stream.linear.scatter [tilespmem:s18], [sflag:$0x1], $0x2800, $0x38;
	[tilespmem:$0x18800] =	vst v63  }
0x2a: {  	_ =	swait.ge [sflag:s19], $0x2800  }
0x2b: {  	[sflag:s19] =	ssyncset.done $0x0  }
0x2c: {  	[sflag:s19] =	ssyncadd.s32 $0xFFFFD800  }
0x2d: {  	[spmem:s13] =	stream.linear.scatter [tilespmem:s18], [sflag:$0x1], $0x2800, $0x38;
	[tilespmem:$0x18800] =	vst v63  }
0x2e: {  	_ =	swait.ge [sflag:s19], $0x2800  }
0x2f: {  	[sflag:s19] =	ssyncset.done $0x0  }
0x30: {  	[sflag:s19] =	ssyncadd.s32 $0xFFFFD800  }
0x31: {  	[spmem:s14] =	stream.linear.scatter [tilespmem:s18], [sflag:$0x1], $0x2800, $0x38;
	[tilespmem:$0x18800] =	vst v63  }
0x32: {  	_ =	swait.ge [sflag:s19], $0x2800  }
0x33: {  	[sflag:s19] =	ssyncset.done $0x0  }
0x34: {  	[sflag:s19] =	ssyncadd.s32 $0xFFFFD800  }
0x35: {  	[spmem:s15] =	stream.linear.scatter [tilespmem:s18], [sflag:$0x1], $0x2800, $0x38;
	[tilespmem:$0x18800] =	vst v63  }
0x36: {  	_ =	swait.ge [sflag:s19], $0x2800  }
0x37: {  	[sflag:s19] =	ssyncset.done $0x0  }
0x38: {  	[sflag:s19] =	ssyncadd.s32 $0xFFFFD800  }
0x39: {  	[spmem:s16] =	stream.linear.scatter [tilespmem:s18], [sflag:$0x1], $0x2800, $0x38;
	[tilespmem:$0x18800] =	vst v63  }
0x3a: {  	_ =	swait.ge [sflag:s19], $0x2800  }
0x3b: {  	[sflag:s19] =	ssyncset.done $0x0  }
0x3c: {  	[sflag:s19] =	ssyncadd.s32 $0xFFFFD800  }
0x3d: {  	[spmem:s17] =	stream.linear.scatter [tilespmem:s18], [sflag:$0x1], $0x2800, $0x38;
	[tilespmem:$0x18800] =	vst v63  }
0x3e: {  	_ =	swait.ge [sflag:s19], $0x2800  }
0x3f: {  	[sflag:s19] =	ssyncset.done $0x0  }
0x40: {  	[sflag:s19] =	ssyncadd.s32 $0xFFFFD800  }
0x41: {  	s24 =	simm.s32 $0x0;
	[bflag:$0x0] =	sbarrier.arrive $0xFFFF  }
.LBB2_4:
0x42: {  	s25 =	sshll.u32 s24, $0xC  }
0x43: {  	s25 =	sadd.s32 s7, s25  }
0x44: {  	s25 =	sshrl.u32 s25, $0x3  }
0x45: {  	s26 =	sadd.s32 s5, s25  }
0x46: {  	[tilespmem:s3], [sflag:$0x1] =	stream.linear.gather [hbm4b:s26+s3], $0xC80, $0x38;
	[tilespmem:$0x18800] =	vst v63  }
0x47: {  	_ =	swait.ge [sflag:s19], $0xC80  }
0x48: {  	[sflag:s19] =	ssyncset.done $0x0  }
0x49: {  	s25 =	sadd.s32 s6, s25;
	[sflag:s19] =	ssyncadd.s32 $0xFFFFF380  }
0x4a: {  	[tilespmem:s20], [sflag:$0x1] =	stream.linear.gather [hbm4b:s25+s3], $0xC80, $0x38;
	[tilespmem:$0x18800] =	vst v63  }
0x4b: {  	_ =	swait.ge [sflag:s19], $0xC80  }
0x4c: {  	[sflag:s19] =	ssyncset.done $0x0  }
0x4d: {  	s25 =	simm.s32 $0x40;
	[sflag:s19] =	ssyncadd.s32 $0xFFFFF380  }
0x4e: {  	v2 =	vld [tilespmem:s25+$0xFFFFFFC0]  }
0x4f: {  	v3 =	vld [tilespmem:s25+$0xFFFFFFD0]  }
0x50: {  	v4 =	vld [tilespmem:s25+$0xFFFFFFE0]  }
0x51: {  	v5 =	vld [tilespmem:s25+$0x0]  }
0x52: {  	v6 =	vld [tilespmem:s25+$0xFFFFFFF0]  }
0x53: {  	v2 =	vshll.u32 v2, $0x1  }
0x54: {  	v3 =	vshll.u32 v3, $0x1;
	v2 =	vor.u32 v0, v2  }
0x55: {  	s26 =	simm.s32 $0xC0;
	v4 =	vshll.u32 v4, $0x1;
	v3 =	vor.u32 v0, v3;
	[tilespmem:s25+$0xFFFFFFC0] =	vst v2  }
0x56: {  	v5 =	vshll.u32 v5, $0x1;
	v4 =	vor.u32 v0, v4;
	v2 =	vld [tilespmem:s26+$0xFFFFFFC0];
	[tilespmem:s25+$0xFFFFFFD0] =	vst v3  }
0x57: {  	v6 =	vshll.u32 v6, $0x1;
	v7 =	vor.u32 v0, v5;
	v3 =	vld [tilespmem:s26+$0xFFFFFFD0];
	[tilespmem:s25+$0xFFFFFFE0] =	vst v4  }
0x58: {  	s28 =	simm.s32 $0x500;
	v5 =	vor.u32 v0, v6;
	v4 =	vld [tilespmem:s26+$0xFFFFFFE0];
	[tilespmem:s25+$0x0] =	vst v7  }
.LBB2_5:
0x59: {  	p0 =	sne.s32 s28, $0x3100;
	v6 =	vld [tilespmem:s26+$0x0];
	[tilespmem:s25+$0xFFFFFFF0] =	vst v5;
	s25 =	smov.u32 s26  }
0x5a: {  	v5 =	vld [tilespmem:s25+$0xFFFFFFF0]  }
0x5b: {  	v2 =	vshll.u32 v2, $0x1  }
.Ltmp1:
0x5c: {  	v2 =	vor.u32 v0, v2;
	v3 =	vshll.u32 v3, $0x1;
	(pc) =	sbr.rel @p0 .LBB2_5-.Ltmp1, $4  }
0x5d: {  	s26 =	sshra.s32 s28, $0x2;
	[tilespmem:s25+$0xFFFFFFC0] =	vst v2;
	v3 =	vor.u32 v0, v3;
	v4 =	vshll.u32 v4, $0x1  }
0x5e: {  	v2 =	vld [tilespmem:s26+$0xFFFFFFC0];
	[tilespmem:s25+$0xFFFFFFD0] =	vst v3;
	v4 =	vor.u32 v0, v4;
	v6 =	vshll.u32 v6, $0x1  }
0x5f: {  	v3 =	vld [tilespmem:s26+$0xFFFFFFD0];
	[tilespmem:s25+$0xFFFFFFE0] =	vst v4;
	v5 =	vshll.u32 v5, $0x1;
	v6 =	vor.u32 v0, v6  }
0x60: {  	s28 =	sadd.s32 $0x200, s28;
	v4 =	vld [tilespmem:s26+$0xFFFFFFE0];
	v5 =	vor.u32 v0, v5;
	[tilespmem:s25+$0x0] =	vst v6  }
0x61: {  	v6 =	vld [tilespmem:s26+$0x0];
	[tilespmem:s25+$0xFFFFFFF0] =	vst v5  }
0x62: {  	v5 =	vld [tilespmem:s26+$0xFFFFFFF0]  }
0x63: {  	v2 =	vshll.u32 v2, $0x1  }
0x64: {  	v2 =	vor.u32 v0, v2;
	v3 =	vshll.u32 v3, $0x1  }
0x65: {  	[tilespmem:s26+$0xFFFFFFC0] =	vst v2;
	v2 =	vor.u32 v0, v3;
	v3 =	vshll.u32 v4, $0x1  }
0x66: {  	[tilespmem:s26+$0xFFFFFFD0] =	vst v2;
	v2 =	vor.u32 v0, v3;
	v3 =	vshll.u32 v6, $0x1  }
0x67: {  	[tilespmem:s26+$0xFFFFFFE0] =	vst v2;
	v2 =	vshll.u32 v5, $0x1;
	v3 =	vor.u32 v0, v3  }
0x68: {  	v2 =	vor.u32 v0, v2;
	[tilespmem:s26+$0x0] =	vst v3  }
0x69: {  	s30 =	simm.s32 $0x0;
	[tilespmem:s26+$0xFFFFFFF0] =	vst v2  }
0x6a: {  	[tilespmem:s18], [sflag:$0x1] =	stream.indirect.gather [hbm4b:s4+s21], $0x80, s30, s21, $0xb8;
	[tilespmem:$0x18800] =	vst v63  }
0x6b: {  	_ =	swait.ge [sflag:s19], $0x2800  }
0x6c: {  	[sflag:s19] =	ssyncset.done $0x0  }
0x6d: {  	s31 =	simm.s32 $0x1000;
	[sflag:s19] =	ssyncadd.s32 $0xFFFFD800  }
0x6e: {  	[spmem:s1] =	stream.indirect.scatter.add.f32 [tilespmem:s18], [sflag:$0x1], $0x80, s31, s21, $0xb8;
	[tilespmem:$0x18800] =	vst v63  }
0x6f: {  	_ =	swait.ge [sflag:s19], $0x2800  }
0x70: {  	s25 =	simm.s32 $0x200;
	s26 =	simm.s32 $0x400;
	[sflag:s19] =	ssyncset.done $0x0  }
.LBB2_7:
0x71: {  	s28 =	sshra.s32 s25, $0x2  }
0x72: {  	[sflag:s19] =	ssyncadd.s32 $0xFFFFD800;
	s25 =	smov.u32 s26;
	s29 =	sadd.s32 $0x200, s26  }
0x73: {  	[tilespmem:s18], [sflag:$0x1] =	stream.indirect.gather [hbm4b:s4+s21], $0x80, s28, s21, $0xb8;
	[tilespmem:$0x18800] =	vst v63  }
0x74: {  	p0 =	sne.s32 s26, $0x3000;
	_ =	swait.ge [sflag:s19], $0x2800  }
.Ltmp2:
0x75: {  	[sflag:s19] =	ssyncset.done $0x0;
	(pc) =	sbr.rel @p0 .LBB2_7-.Ltmp2, $4  }
0x76: {  	s26 =	sadd.s32 $0x1000, s28;
	[sflag:s19] =	ssyncadd.s32 $0xFFFFD800  }
0x77: {  	[spmem:s1] =	stream.indirect.scatter.add.f32 [tilespmem:s18], [sflag:$0x1], $0x80, s26, s21, $0xb8;
	[tilespmem:$0x18800] =	vst v63  }
0x78: {  	_ =	swait.ge [sflag:s19], $0x2800  }
0x79: {  	s26 =	smov.u32 s29;
	[sflag:s19] =	ssyncset.done $0x0  }
0x7a: {  	s25 =	sshra.s32 s25, $0x2;
	[sflag:s19] =	ssyncadd.s32 $0xFFFFD800  }
0x7b: {  	[tilespmem:s18], [sflag:$0x1] =	stream.indirect.gather [hbm4b:s4+s21], $0x80, s25, s21, $0xb8;
	[tilespmem:$0x18800] =	vst v63  }
0x7c: {  	s24 =	sadd.s32 $0x1, s24;
	_ =	swait.ge [sflag:s19], $0x2800  }
0x7d: {  	p0 =	sne.s32 s24, $0x5;
	[sflag:s19] =	ssyncset.done $0x0  }
.Ltmp3:
0x7e: {  	s25 =	sadd.s32 $0x1000, s25;
	[sflag:s19] =	ssyncadd.s32 $0xFFFFD800;
	(pc) =	sbr.rel @p0 .LBB2_4-.Ltmp3, $4  }
0x7f: {  	[spmem:s1] =	stream.indirect.scatter.add.f32 [tilespmem:s18], [sflag:$0x1], $0x80, s25, s21, $0xb8;
	[tilespmem:$0x18800] =	vst v63  }
0x80: {  	_ =	swait.ge [sflag:s19], $0x2800  }
0x81: {  	[sflag:s19] =	ssyncset.done $0x0  }
0x82: {  	[sflag:s19] =	ssyncadd.s32 $0xFFFFD800  }
0x83: {  	s23 =	sadd.s32 $0x1, s23  }
0x84: {  	p0 =	sne.s32 s23, s10  }
.Ltmp4:
0x85: {  	[bflag:$0x0] =	sbarrier.arrive $0xFFFF;
	s24 =	sshrl.u32 s9, $0x3;
	(pc) =	sbr.rel @p0 .LBB2_1-.Ltmp4, $4  }
0x86: {  	[hbm:s8], [sflag:s22] =	dma.local [spmem:s24], $0x2800  }
0x87: {  	_ =	swait.ge [sflag:s19], $0x2800  }
0x88: {  	[sflag:s19] =	ssyncset.done $0x0  }
0x89: {  	[sflag:s19] =	ssyncadd.s32 $0xFFFFD800  }
0x8a: {  	_ =	sfence.sel $0x180000  }
0x8b: {  	[bflag:$0x0] =	sbarrier.arrive $0xFFFF  }
0x8c: {  	p0 =	sne.s32 s2, $0x0;
	_ =	strace $0x90000047  }
0x8d: {  	s0 =	sadd.s32 @!p0 $0x100000, s0;
	[bflag:$0x2] =	sbarrier.arrive $0xFFFF  }
0x8e: {  	[sflag:s0] =	ssyncadd.tile.s32 @!p0 $0x1;
	_ =	shalt  }
.Lfunc_end2:
_tile_overlayer_lowered:
.L_overlay_start_2:
0x8f: {  	(tag) =	ssettag $0x2  }
0x90: {  	s0 =	rddreg [dreg:$0x0];
	s2 =	stileid.u32  }
0x91: {  	s1 =	rddreg [dreg:$0x1];
	p0 =	sne.s32 s2, $0x0  }
0x92: {  	s3 =	rddreg [dreg:$0x2];
	[bflag:$0x3] =	sbarrier.arrive $0xFFFF;
	s2 =	simm.s32 @!p0 $0x1C01  }
0x93: {  	[timem:s3], [sflag:s2] =	dma.local @!p0 [hbm:s0], s1  }
0x94: {  	s0 =	simm.s32 @!p0 $0x1  }
0x95: {  	_ =	swait.ge @!p0 [sflag:s0], s1  }
0x96: {  	s1 =	ssub.s32 @!p0 $0x0, s1;
	[sflag:s0] =	ssyncset.done @!p0 $0x0  }
0x97: {  	[sflag:s0] =	ssyncadd.s32 @!p0 s1  }
0x98: {  	[bflag:$0x3] =	sbarrier.arrive $0xFFFF  }
0x99: {  	_ =	shalt  }

// kernel: kernel.15.cloned.1.call-start
scs
__scs_entry_jumppad:
0x0: {  	(pc) =	sbr.rel $0x88, $3  }
0x1: {  	(tag) =	ssettag $0x0;
	lr =	simm.s32 $0x1  }
0x2: {  	[smem:$0x3F96] =	sst lr;
	_ =	strace $0xD0000000  }
0x3: {  	_ = 	snop  }
0x4: {  	_ = 	snop  }
0x5: {  	_ = 	snop  }
0x6: {  	_ = 	snop  }
0x7: {  	_ = 	snop  }
__scs_overlays_trampoline_lowered:
0x8: {  	[smem:$0x3FA5] =	sst s0  }
0x9: {  	[smem:$0x3FA6] =	sst s1  }
0xa: {  	[smem:$0x3FA7] =	sst s2  }
0xb: {  	[smem:$0x3FA8] =	sst s3  }
0xc: {  	[smem:$0x3FA9] =	sst s4  }
0xd: {  	[smem:$0x3FAA] =	sst s5  }
0xe: {  	[smem:$0x3FAB] =	sst s6  }
0xf: {  	[smem:$0x3FAC] =	sst s7  }
0x10: {  	[smem:$0x3FAD] =	sst s8  }
0x11: {  	[smem:$0x3FAE] =	sst s9;
	s0 =	simm.s32 @!p0 $0x0  }
0x12: {  	s1 =	sld [smem:$0x3F94];
	s0 =	simm.s32 @p0 $0x1  }
0x13: {  	[smem:$0x3FAF] =	sst s0;
	s0 =	simm.s32 @!p1 $0x0  }
0x14: {  	s2 =	sld [smem:$0x3F93];
	s0 =	simm.s32 @p1 $0x1  }
0x15: {  	[smem:$0x3FB0] =	sst s0;
	s0 =	simm.s32 @!p2 $0x0  }
0x16: {  	s3 =	sld [smem:$0x3FDB];
	s0 =	simm.s32 @p2 $0x1  }
0x17: {  	s4 =	simm.s32 $0x1BF5;
	[smem:$0x3FB2] =	sst s0  }
0x18: {  	s0 =	sld [smem:$0x3F95];
	_ =	swait.ge [sflag:s4], $0x0  }
0x19: {  	s7 =	sld [smem:$0x3F96]  }
0x1a: {  	s8 =	sadd.s32 $0xFFFFE003, lr  }
0x1b: {  	s9 =	sadd.s32 $0xFFFFFEF7, lr;
	s5 =	simm.s32 $0xFFFFFFFF;
	p2 =	slt.u32 s8, $0xFFFFF086  }
0x1c: {  	p1 =	slt.u32 s9, $0xF7A;
	s5 =	simm.s32 @!p2 $0x0  }
0x1d: {  	s5 =	simm.s32 @p1 $0x1;
	p0 =	seq.s32 s7, s2  }
0x1e: {  	s7 =	smul.u32 @!p0 $0xF7A, s2;
	p2 =	seq.s32 @!p0 s5, $0x0  }
0x1f: {  	s9 =	smul.u32 $0xF7A, s1;
	s8 =	simm.s32 @!p0 $0x1BF5;
	p2 =	por !p2, p0  }
0x20: {  	[sflag:s8] =	ssyncset.s32 @!p0 $0xFFFFF086;
	s6 =	sadd.s32 @!p0 s3, s7;
	s7 =	simm.s32 @!p0 $0x108  }
0x21: {  	s3 =	sadd.s32 s3, s9;
	s6 =	sadd.s32 @!p0 $0x88, s6;
	s7 =	simm.s32 @p2 $0x1082  }
0x22: {  	[simem:s7], [sflag:s8] =	dma.local @!p0 [hbm:s6], $0xF7A  }
0x23: {  	s9 =	sor.u32 $0xD0000000, s2;
	s6 =	simm.s32 $0x108;
	_ =	swait.ge @!p0 [sflag:s8], $0x0  }
0x24: {  	s3 =	sadd.s32 $0x88, s3;
	s6 =	simm.s32 @!p1 $0x1082;
	[sflag:s4] =	ssyncset.s32 $0xFFFFF086  }
0x25: {  	[simem:s6], [sflag:s4] =	dma.local [hbm:s3], $0xF7A  }
0x26: {  	[smem:$0x3F96] =	sst s1;
	(tag) =	ssettag s2;
	_ =	strace s9  }
0x27: {  	s1 =	sld [smem:$0x3FA6]  }
0x28: {  	s2 =	sld [smem:$0x3FA7]  }
0x29: {  	s4 =	sld [smem:$0x3FA9]  }
0x2a: {  	p0 =	seq.s32 s5, $0x0;
	s5 =	sld [smem:$0x3FAA]  }
0x2b: {  	s6 =	sld [smem:$0x3FAB]  }
0x2c: {  	s7 =	sld [smem:$0x3FAC]  }
0x2d: {  	s3 =	simm.s32 $0x108;
	s8 =	sld [smem:$0x3FAD]  }
0x2e: {  	s3 =	simm.s32 @!p0 $0x1082;
	s9 =	sld [smem:$0x3FAE]  }
0x2f: {  	lr =	sadd.s32 s0, s3;
	s0 =	sld [smem:$0x3FA5]  }
0x30: {  	s3 =	sld [smem:$0x3FA8]  }
0x31: {  	[smem:$0x3FB1] =	sst s10  }
0x32: {  	s10 =	sld [smem:$0x3FAF];
	_ =	sdelay $0x3  }
0x33: {  	p0 =	seq.s32 s10, $0x1;
	s10 =	sld [smem:$0x3FB1];
	_ =	sdelay $0x3  }
0x34: {  	[smem:$0x3FB1] =	sst s10  }
0x35: {  	s10 =	sld [smem:$0x3FB0];
	_ =	sdelay $0x3  }
0x36: {  	p1 =	seq.s32 s10, $0x1;
	s10 =	sld [smem:$0x3FB1];
	_ =	sdelay $0x3  }
0x37: {  	[smem:$0x3FB1] =	sst s10  }
0x38: {  	s10 =	sld [smem:$0x3FB2]  }
0x39: {  	_ = 	snop;
	(pc) =	sbr.ind lr, $3  }
0x3a: {  	_ = 	snop  }
0x3b: {  	_ = 	snop  }
0x3c: {  	p2 =	seq.s32 s10, $0x1;
	s10 =	sld [smem:$0x3FB1]  }
0x3d: {  	_ =	shalt  }
0x3e: {  	_ =	shalt  }
0x3f: {  	_ =	shalt  }
0x40: {  	_ =	shalt  }
0x41: {  	_ =	shalt  }
0x42: {  	_ =	shalt  }
0x43: {  	_ =	shalt  }
0x44: {  	_ =	shalt  }
0x45: {  	_ =	shalt  }
0x46: {  	_ =	shalt  }
0x47: {  	_ =	shalt  }
0x48: {  	_ =	shalt  }
0x49: {  	_ =	shalt  }
0x4a: {  	_ =	shalt  }
0x4b: {  	_ =	shalt  }
0x4c: {  	_ =	shalt  }
0x4d: {  	_ =	shalt  }
0x4e: {  	_ =	shalt  }
0x4f: {  	_ =	shalt  }
0x50: {  	_ =	shalt  }
0x51: {  	_ =	shalt  }
0x52: {  	_ =	shalt  }
0x53: {  	_ =	shalt  }
0x54: {  	_ =	shalt  }
0x55: {  	_ =	shalt  }
0x56: {  	_ =	shalt  }
0x57: {  	_ =	shalt  }
0x58: {  	_ =	shalt  }
0x59: {  	_ =	shalt  }
0x5a: {  	_ =	shalt  }
0x5b: {  	_ =	shalt  }
0x5c: {  	_ =	shalt  }
0x5d: {  	_ =	shalt  }
0x5e: {  	_ =	shalt  }
0x5f: {  	_ =	shalt  }
0x60: {  	_ =	shalt  }
0x61: {  	_ =	shalt  }
0x62: {  	_ =	shalt  }
0x63: {  	_ =	shalt  }
0x64: {  	_ =	shalt  }
0x65: {  	_ =	shalt  }
0x66: {  	_ =	shalt  }
0x67: {  	_ =	shalt  }
0x68: {  	_ =	shalt  }
0x69: {  	_ =	shalt  }
0x6a: {  	_ =	shalt  }
0x6b: {  	_ =	shalt  }
0x6c: {  	_ =	shalt  }
0x6d: {  	_ =	shalt  }
0x6e: {  	_ =	shalt  }
0x6f: {  	_ =	shalt  }
0x70: {  	_ =	shalt  }
0x71: {  	_ =	shalt  }
0x72: {  	_ =	shalt  }
0x73: {  	_ =	shalt  }
0x74: {  	_ =	shalt  }
0x75: {  	_ =	shalt  }
0x76: {  	_ =	shalt  }
0x77: {  	_ =	shalt  }
0x78: {  	_ =	shalt  }
0x79: {  	_ =	shalt  }
0x7a: {  	_ =	shalt  }
0x7b: {  	_ =	shalt  }
0x7c: {  	_ =	shalt  }
0x7d: {  	_ =	shalt  }
0x7e: {  	_ =	shalt  }
0x7f: {  	_ =	shalt  }
0x80: {  	_ =	shalt  }
0x81: {  	_ =	shalt  }
0x82: {  	_ =	shalt  }
0x83: {  	_ =	shalt  }
0x84: {  	_ =	shalt  }
0x85: {  	_ =	shalt  }
0x86: {  	_ =	shalt  }
0x87: {  	_ =	shalt  }
.Lfunc_end0:
.L_simem_size_0:
called_computation.1_lowered:
.L_overlay_start_0:
0x88: {  	s2 =	sld [smem:$0x3FD9]  }
0x89: {  	s3 =	sld [smem:$0x3FFE];
	_ =	sdelay $0x1  }
0x8a: {  	s1 =	srdreg.scid  }
0x8b: {  	s0 =	sand.u32 $0x1, s1  }
0x8c: {  	s17 =	sshll.u32 s0, $0xA;
	s2 =	sadd.s32 s3, s2  }
0x8d: {  	s2 =	sadd.s32 s2, s17  }
0x8e: {  	[smem:$0x3FBD] =	sst s2  }
0x8f: {  	_ = 	snop  }
0x90: {  	s18 =	sld [smem:$0x3FD0];
	(tm) =	ssettm $0x1  }
0x91: {  	s19 =	sld [smem:$0x3FFB];
	_ =	sdelay $0x3  }
0x92: {  	_ =	strace s19  }
0x93: {  	s2 =	sld [smem:$0x3FFC];
	_ =	sdelay $0x3  }
0x94: {  	_ =	strace s2  }
0x95: {  	s2 =	sld [smem:$0x3FFD];
	_ =	sdelay $0x3  }
0x96: {  	_ =	strace s2  }
0x97: {  	_ =	strace $0x8FFFFFFF  }
0x98: {  	s20 =	sld [smem:$0x3FDB];
	_ =	sdelay $0x1  }
0x99: {  	s4 =	simm.s32 $_scs_section_size  }
0x9a: {  	s5 =	simm.s32 $_size__tile_overlayer_lowered;
	s6 =	simm.s32 $_tile_overlayer_lowered  }
0x9b: {  	s7 =	simm.s32 $0x1BFF;
	s21 =	sshll.u32 s6, $0x1;
	s4 =	sadd.s32 s4, s20  }
0x9c: {  	s22 =	simm.s32 $0x0;
	s5 =	sshll.u32 s5, $0x1;
	s6 =	sadd.s32 s21, s4  }
0x9d: {  	[timem:s22], [sflag:s7] =	dma.local [hbm:s6], s5  }
0x9e: {  	_ =	swait.ge [sflag:s7], s5  }
0x9f: {  	s5 =	ssub.s32 $0x0, s5;
	[sflag:s7] =	ssyncset.done $0x0  }
0xa0: {  	[sflag:s7] =	ssyncadd.s32 s5;
	_ =	sdelay $0x1  }
0xa1: {  	s23 =	simm.s32 $0x1B8B  }
0xa2: {  	_ =	swait.ge [sflag:s23], $0x1  }
0xa3: {  	[sflag:s23] =	ssyncset.done $0x0  }
0xa4: {  	[sflag:s23] =	ssyncadd.s32 $0xFFFFFFFF  }
0xa5: {  	s5 =	sld [smem:$0x0]  }
0xa6: {  	s6 =	sand.u32 $0xFFFFFFFE, s1  }
0xa7: {  	p0 =	sne.s32 s1, s6  }
0xa8: {  	s6 =	sshll.u32 @p0 s6, $0xE  }
0xa9: {  	s6 =	sadd.s32 @p0 $0x11B8D, s6;
	s7 =	sshll.u32 @p0 s5, $0x11  }
0xaa: {  	s6 =	sor.u32 @p0 s7, s6  }
0xab: {  	[sflag:s6] =	ssyncadd.remote.s32 @p0 $0x1;
	_ =	sdelay $0x1  }
0xac: {  	s6 =	simm.s32 @p0 $0x1B8D  }
0xad: {  	_ =	swait.eq @p0 [sflag:s6], $0x1  }
0xae: {  	[sflag:s6] =	ssyncadd.s32 @p0 $0xFFFFFFFF  }
0xaf: {  	s7 =	sshll.u32 @!p0 s1, $0xE  }
0xb0: {  	s7 =	sor.u32 @!p0 $0x4000, s7;
	s6 =	simm.s32 @!p0 $0x1B8D  }
0xb1: {  	s5 =	sshll.u32 @!p0 s5, $0x11;
	s7 =	sadd.s32 @!p0 $0x11B8D, s7;
	_ =	swait.eq @!p0 [sflag:s6], $0x1  }
0xb2: {  	s5 =	sor.u32 @!p0 s5, s7;
	[sflag:s6] =	ssyncadd.s32 @!p0 $0xFFFFFFFF  }
0xb3: {  	s25 =	simm.s32 $0x1B8E;
	s24 =	sld [smem:$0x3FFE];
	[sflag:s5] =	ssyncadd.remote.s32 @!p0 $0x1  }
0xb4: {  	s26 =	simm.s32 $execute0_lowered;
	[smem:$0x3FD2] =	sst s25  }
0xb5: {  	s6 =	sshll.u32 s26, $0x1;
	_ =	strace $0x80000049;
	[dreg:$0x1] =	wrdreg $0xFFFFFFFF  }
0xb6: {  	s28 =	simm.s32 $_size_execute0_lowered;
	s4 =	sadd.s32 s4, s6;
	[dreg:$0x0] =	wrdreg $0x0  }
0xb7: {  	s6 =	sshll.u32 s28, $0x1;
	[dreg:$0x2] =	wrdreg s4  }
0xb8: {  	[dreg:$0x3] =	wrdreg s6  }
0xb9: {  	[dreg:$0x4] =	wrdreg $0xC0  }
0xba: {  	_ =	task [dreg:s22], $0x5FFFF  }
0xbb: {  	[dreg:$0x1] =	wrdreg $0xFFFFFFFF  }
0xbc: {  	[dreg:$0x0] =	wrdreg $0x60  }
0xbd: {  	[dreg:$0x2] =	wrdreg s18  }
0xbe: {  	[dreg:$0x3] =	wrdreg s24  }
0xbf: {  	[dreg:$0x4] =	wrdreg $0x48000  }
0xc0: {  	[dreg:$0x5] =	wrdreg $0xA  }
0xc1: {  	_ =	task.clear_ibuf [dreg:s22], $0x6FFFF;
	_ =	strace $0x90000049  }
0xc2: {  	s29 =	simm.s32 $0xA;
	_ =	strace $0x8000004B  }
0xc3: {  	_ =	swait.ge [sflag:s29], $0x1  }
0xc4: {  	[sflag:s29] =	ssyncadd.s32 $0xFFFFFFFF  }
0xc5: {  	_ =	strace $0x9000004B  }
0xc6: {  	_ =	sfence  }
0xc7: {  	s30 =	sld [smem:$0x0];
	_ =	sdelay $0x2  }
0xc8: {  	s31 =	sshll.u32 s1, $0xD;
	s1 =	sshrl.u32 s1, $0x2  }
0xc9: {  	s4 =	sand.u32 $0x4000, s31;
	s1 =	sadd.s32 s1, s30  }
0xca: {  	s0 =	sor.u32 s4, s0;
	s1 =	sshll.u32 s1, $0x11  }
0xcb: {  	s0 =	sor.u32 s1, s0  }
0xcc: {  	s0 =	sadd.s32 $0x8F2B, s0  }
0xcd: {  	[sflag:s0] =	ssyncadd.remote.s32 $0x1  }
0xce: {  	_ =	sfence.sel $0xFFFF  }
0xcf: {  	[dreg:$0x0] =	wrdreg $0xFFFFFFFF;
	(pc) =	sbr.abs _section_cstart, $3  }
0xd0: {  	[dreg:$0x1] =	wrdreg $0xFFFFFFFF  }
0xd1: {  	_ =	task.clear_ibuf [dreg:s22], $0x2FFFF;
	_ =	strace $0x9FFFFFFF  }
0xd2: {  	(tm) =	ssettm $0x7FFFFFFF  }
0xd3: {  	_ =	shalt  }
tec
execute0_lowered:
.L_overlay_start_1:
0x0: {  	(tag) =	ssettag $0x1  }
0x1: {  	s1 =	rddreg [dreg:$0x0]  }
0x2: {  	s7 =	rddreg [dreg:$0x1]  }
0x3: {  	s2 =	rddreg [dreg:$0x2];
	s3 =	srdreg.scid  }
0x4: {  	s0 =	rddreg [dreg:$0x3];
	s4 =	simm.s32 $0x0;
	s18 =	simm.s32 $0x2000  }
0x5: {  	s19 =	simm.s32 $0x1;
	s20 =	simm.s32 $0x1000;
	s21 =	sand.u32 $0x1, s3  }
0x6: {  	s23 =	simm.s32 $0x0;
	s3 =	stileid.u32;
	s6 =	smul.u32 $0x140000, s21  }
0x7: {  	[smem:$0x7FF] =	sst s4;
	s5 =	sadd.s32 $0x2E00, s7;
	s8 =	smul.u32 $0x14000, s3  }
0x8: {  	_ =	strace $0x8000004A;
	s9 =	ssub.s32 $0x2, s21;
	s10 =	smul.u32 $0x50000, s3  }
0x9: {  	s22 =	sshll.u32 s3, $0x6;
	v0 =	vmov s21;
	s21 =	simm.s32 $0x50;
	s11 =	sshrl.u32 s9, $0x1  }
0xa: {  	s22 =	sor.u32 $0x1C01, s22;
	s8 =	sadd.s32 s8, s6;
	s6 =	sadd.s32 $0xCE00, s7  }
0xb: {  	s11 =	ssub.s32 s9, s11;
	s31 =	sshrl.u32 s10, $0x2;
	s8 =	sshrl.u32 s8, $0x3  }
0xc: {  	s9 =	sadd.s32 s31, s2;
	s10 =	smax.u32 s11, $0x1;
	s8 =	sadd.s32 s8, s7  }
0xd: {  	s7 =	smul.u32 $0x5000, s3;
	s11 =	sadd.s32 $0x2800, s9;
	s12 =	sadd.s32 $0x5000, s9  }
0xe: {  	s13 =	sadd.s32 $0x7800, s9;
	s14 =	sadd.s32 $0xA000, s9;
	s15 =	sadd.s32 $0xC800, s9  }
0xf: {  	v1 =	vimm.f32 $0.0e+00;
	s16 =	sadd.s32 $0xF000, s9;
	s17 =	sadd.s32 $0x11800, s9;
	s8 =	sadd.s32 $0xB5000, s8  }
.LBB2_1:
0x10: {  	s24 =	simm.s32 $0x70;
	s25 =	simm.s32 $0x3C0  }
.LBB2_2:
0x11: {  	p0 =	sne.s32 s25, $0x9FC0;
	[tilespmem:s24+$0x2000] =	vst v1  }
0x12: {  	[tilespmem:s24+$0x1F90] =	vst v1  }
0x13: {  	[tilespmem:s24+$0x1FA0] =	vst v1  }
.Ltmp0:
0x14: {  	[tilespmem:s24+$0x1FB0] =	vst v1;
	(pc) =	sbr.rel @p0 .LBB2_2-.Ltmp0, $4  }
0x15: {  	[tilespmem:s24+$0x1FC0] =	vst v1  }
0x16: {  	[tilespmem:s24+$0x1FD0] =	vst v1  }
0x17: {  	[tilespmem:s24+$0x1FE0] =	vst v1  }
0x18: {  	[tilespmem:s24+$0x1FF0] =	vst v1;
	s24 =	sshra.s32 s25, $0x2;
	s25 =	sadd.s32 $0x200, s25  }
0x19: {  	[tilespmem:s24+$0x2000] =	vst v1  }
0x1a: {  	[tilespmem:s24+$0x1F90] =	vst v1  }
0x1b: {  	[tilespmem:s24+$0x1FA0] =	vst v1  }
0x1c: {  	[tilespmem:s24+$0x1FB0] =	vst v1  }
0x1d: {  	[tilespmem:s24+$0x1FC0] =	vst v1  }
0x1e: {  	[tilespmem:s24+$0x1FD0] =	vst v1  }
0x1f: {  	[tilespmem:s24+$0x1FE0] =	vst v1  }
0x20: {  	[tilespmem:s24+$0x1FF0] =	vst v1  }
0x21: {  	[spmem:s9] =	stream.linear.scatter [tilespmem:s18], [sflag:$0x1], $0x2800, $0x38;
	[tilespmem:$0x18800] =	vst v63  }
0x22: {  	_ =	swait.ge [sflag:s19], $0x2800  }
0x23: {  	[sflag:s19] =	ssyncset.done $0x0  }
0x24: {  	[sflag:s19] =	ssyncadd.s32 $0xFFFFD800  }
0x25: {  	[spmem:s11] =	stream.linear.scatter [tilespmem:s18], [sflag:$0x1], $0x2800, $0x38;
	[tilespmem:$0x18800] =	vst v63  }
0x26: {  	_ =	swait.ge [sflag:s19], $0x2800  }
0x27: {  	[sflag:s19] =	ssyncset.done $0x0  }
0x28: {  	[sflag:s19] =	ssyncadd.s32 $0xFFFFD800  }
0x29: {  	[spmem:s12] =	stream.linear.scatter [tilespmem:s18], [sflag:$0x1], $0x2800, $0x38;
	[tilespmem:$0x18800] =	vst v63  }
0x2a: {  	_ =	swait.ge [sflag:s19], $0x2800  }
0x2b: {  	[sflag:s19] =	ssyncset.done $0x0  }
0x2c: {  	[sflag:s19] =	ssyncadd.s32 $0xFFFFD800  }
0x2d: {  	[spmem:s13] =	stream.linear.scatter [tilespmem:s18], [sflag:$0x1], $0x2800, $0x38;
	[tilespmem:$0x18800] =	vst v63  }
0x2e: {  	_ =	swait.ge [sflag:s19], $0x2800  }
0x2f: {  	[sflag:s19] =	ssyncset.done $0x0  }
0x30: {  	[sflag:s19] =	ssyncadd.s32 $0xFFFFD800  }
0x31: {  	[spmem:s14] =	stream.linear.scatter [tilespmem:s18], [sflag:$0x1], $0x2800, $0x38;
	[tilespmem:$0x18800] =	vst v63  }
0x32: {  	_ =	swait.ge [sflag:s19], $0x2800  }
0x33: {  	[sflag:s19] =	ssyncset.done $0x0  }
0x34: {  	[sflag:s19] =	ssyncadd.s32 $0xFFFFD800  }
0x35: {  	[spmem:s15] =	stream.linear.scatter [tilespmem:s18], [sflag:$0x1], $0x2800, $0x38;
	[tilespmem:$0x18800] =	vst v63  }
0x36: {  	_ =	swait.ge [sflag:s19], $0x2800  }
0x37: {  	[sflag:s19] =	ssyncset.done $0x0  }
0x38: {  	[sflag:s19] =	ssyncadd.s32 $0xFFFFD800  }
0x39: {  	[spmem:s16] =	stream.linear.scatter [tilespmem:s18], [sflag:$0x1], $0x2800, $0x38;
	[tilespmem:$0x18800] =	vst v63  }
0x3a: {  	_ =	swait.ge [sflag:s19], $0x2800  }
0x3b: {  	[sflag:s19] =	ssyncset.done $0x0  }
0x3c: {  	[sflag:s19] =	ssyncadd.s32 $0xFFFFD800  }
0x3d: {  	[spmem:s17] =	stream.linear.scatter [tilespmem:s18], [sflag:$0x1], $0x2800, $0x38;
	[tilespmem:$0x18800] =	vst v63  }
0x3e: {  	_ =	swait.ge [sflag:s19], $0x2800  }
0x3f: {  	[sflag:s19] =	ssyncset.done $0x0  }
0x40: {  	[sflag:s19] =	ssyncadd.s32 $0xFFFFD800  }
0x41: {  	s24 =	simm.s32 $0x0;
	[bflag:$0x0] =	sbarrier.arrive $0xFFFF  }
.LBB2_4:
0x42: {  	s25 =	sshll.u32 s24, $0xC  }
0x43: {  	s25 =	sadd.s32 s7, s25  }
0x44: {  	s25 =	sshrl.u32 s25, $0x3  }
0x45: {  	s26 =	sadd.s32 s5, s25  }
0x46: {  	[tilespmem:s4], [sflag:$0x1] =	stream.linear.gather [hbm4b:s26+s4], $0xC80, $0x38;
	[tilespmem:$0x18800] =	vst v63  }
0x47: {  	_ =	swait.ge [sflag:s19], $0xC80  }
0x48: {  	[sflag:s19] =	ssyncset.done $0x0  }
0x49: {  	s25 =	sadd.s32 s6, s25;
	[sflag:s19] =	ssyncadd.s32 $0xFFFFF380  }
0x4a: {  	[tilespmem:s20], [sflag:$0x1] =	stream.linear.gather [hbm4b:s25+s4], $0xC80, $0x38;
	[tilespmem:$0x18800] =	vst v63  }
0x4b: {  	_ =	swait.ge [sflag:s19], $0xC80  }
0x4c: {  	[sflag:s19] =	ssyncset.done $0x0  }
0x4d: {  	s25 =	simm.s32 $0x40;
	[sflag:s19] =	ssyncadd.s32 $0xFFFFF380  }
0x4e: {  	v2 =	vld [tilespmem:s25+$0xFFFFFFC0]  }
0x4f: {  	v3 =	vld [tilespmem:s25+$0xFFFFFFD0]  }
0x50: {  	v4 =	vld [tilespmem:s25+$0xFFFFFFE0]  }
0x51: {  	v5 =	vld [tilespmem:s25+$0x0]  }
0x52: {  	v6 =	vld [tilespmem:s25+$0xFFFFFFF0]  }
0x53: {  	v2 =	vshll.u32 v2, $0x1  }
0x54: {  	v3 =	vshll.u32 v3, $0x1;
	v2 =	vor.u32 v0, v2  }
0x55: {  	s26 =	simm.s32 $0xC0;
	v4 =	vshll.u32 v4, $0x1;
	v3 =	vor.u32 v0, v3;
	[tilespmem:s25+$0xFFFFFFC0] =	vst v2  }
0x56: {  	v5 =	vshll.u32 v5, $0x1;
	v4 =	vor.u32 v0, v4;
	v2 =	vld [tilespmem:s26+$0xFFFFFFC0];
	[tilespmem:s25+$0xFFFFFFD0] =	vst v3  }
0x57: {  	v6 =	vshll.u32 v6, $0x1;
	v7 =	vor.u32 v0, v5;
	v3 =	vld [tilespmem:s26+$0xFFFFFFD0];
	[tilespmem:s25+$0xFFFFFFE0] =	vst v4  }
0x58: {  	s28 =	simm.s32 $0x500;
	v5 =	vor.u32 v0, v6;
	v4 =	vld [tilespmem:s26+$0xFFFFFFE0];
	[tilespmem:s25+$0x0] =	vst v7  }
.LBB2_5:
0x59: {  	p0 =	sne.s32 s28, $0x3100;
	v6 =	vld [tilespmem:s26+$0x0];
	[tilespmem:s25+$0xFFFFFFF0] =	vst v5;
	s25 =	smov.u32 s26  }
0x5a: {  	v5 =	vld [tilespmem:s25+$0xFFFFFFF0]  }
0x5b: {  	v2 =	vshll.u32 v2, $0x1  }
.Ltmp1:
0x5c: {  	v2 =	vor.u32 v0, v2;
	v3 =	vshll.u32 v3, $0x1;
	(pc) =	sbr.rel @p0 .LBB2_5-.Ltmp1, $4  }
0x5d: {  	s26 =	sshra.s32 s28, $0x2;
	[tilespmem:s25+$0xFFFFFFC0] =	vst v2;
	v3 =	vor.u32 v0, v3;
	v4 =	vshll.u32 v4, $0x1  }
0x5e: {  	v2 =	vld [tilespmem:s26+$0xFFFFFFC0];
	[tilespmem:s25+$0xFFFFFFD0] =	vst v3;
	v4 =	vor.u32 v0, v4;
	v6 =	vshll.u32 v6, $0x1  }
0x5f: {  	v3 =	vld [tilespmem:s26+$0xFFFFFFD0];
	[tilespmem:s25+$0xFFFFFFE0] =	vst v4;
	v5 =	vshll.u32 v5, $0x1;
	v6 =	vor.u32 v0, v6  }
0x60: {  	s28 =	sadd.s32 $0x200, s28;
	v4 =	vld [tilespmem:s26+$0xFFFFFFE0];
	v5 =	vor.u32 v0, v5;
	[tilespmem:s25+$0x0] =	vst v6  }
0x61: {  	v6 =	vld [tilespmem:s26+$0x0];
	[tilespmem:s25+$0xFFFFFFF0] =	vst v5  }
0x62: {  	v5 =	vld [tilespmem:s26+$0xFFFFFFF0]  }
0x63: {  	v2 =	vshll.u32 v2, $0x1  }
0x64: {  	v2 =	vor.u32 v0, v2;
	v3 =	vshll.u32 v3, $0x1  }
0x65: {  	[tilespmem:s26+$0xFFFFFFC0] =	vst v2;
	v2 =	vor.u32 v0, v3;
	v3 =	vshll.u32 v4, $0x1  }
0x66: {  	[tilespmem:s26+$0xFFFFFFD0] =	vst v2;
	v2 =	vor.u32 v0, v3;
	v3 =	vshll.u32 v6, $0x1  }
0x67: {  	[tilespmem:s26+$0xFFFFFFE0] =	vst v2;
	v2 =	vshll.u32 v5, $0x1;
	v3 =	vor.u32 v0, v3  }
0x68: {  	v2 =	vor.u32 v0, v2;
	[tilespmem:s26+$0x0] =	vst v3  }
0x69: {  	s30 =	simm.s32 $0x0;
	[tilespmem:s26+$0xFFFFFFF0] =	vst v2  }
0x6a: {  	[tilespmem:s18], [sflag:$0x1] =	stream.indirect.gather [hbm4b:s1+s21], $0x80, s30, s21, $0xb8;
	[tilespmem:$0x18800] =	vst v63  }
0x6b: {  	_ =	swait.ge [sflag:s19], $0x2800  }
0x6c: {  	[sflag:s19] =	ssyncset.done $0x0  }
0x6d: {  	s31 =	simm.s32 $0x1000;
	[sflag:s19] =	ssyncadd.s32 $0xFFFFD800  }
0x6e: {  	[spmem:s2] =	stream.indirect.scatter.add.f32 [tilespmem:s18], [sflag:$0x1], $0x80, s31, s21, $0xb8;
	[tilespmem:$0x18800] =	vst v63  }
0x6f: {  	_ =	swait.ge [sflag:s19], $0x2800  }
0x70: {  	s25 =	simm.s32 $0x200;
	s26 =	simm.s32 $0x400;
	[sflag:s19] =	ssyncset.done $0x0  }
.LBB2_7:
0x71: {  	s28 =	sshra.s32 s25, $0x2  }
0x72: {  	[sflag:s19] =	ssyncadd.s32 $0xFFFFD800;
	s25 =	smov.u32 s26;
	s29 =	sadd.s32 $0x200, s26  }
0x73: {  	[tilespmem:s18], [sflag:$0x1] =	stream.indirect.gather [hbm4b:s1+s21], $0x80, s28, s21, $0xb8;
	[tilespmem:$0x18800] =	vst v63  }
0x74: {  	p0 =	sne.s32 s26, $0x3000;
	_ =	swait.ge [sflag:s19], $0x2800  }
.Ltmp2:
0x75: {  	[sflag:s19] =	ssyncset.done $0x0;
	(pc) =	sbr.rel @p0 .LBB2_7-.Ltmp2, $4  }
0x76: {  	s26 =	sadd.s32 $0x1000, s28;
	[sflag:s19] =	ssyncadd.s32 $0xFFFFD800  }
0x77: {  	[spmem:s2] =	stream.indirect.scatter.add.f32 [tilespmem:s18], [sflag:$0x1], $0x80, s26, s21, $0xb8;
	[tilespmem:$0x18800] =	vst v63  }
0x78: {  	_ =	swait.ge [sflag:s19], $0x2800  }
0x79: {  	s26 =	smov.u32 s29;
	[sflag:s19] =	ssyncset.done $0x0  }
0x7a: {  	s25 =	sshra.s32 s25, $0x2;
	[sflag:s19] =	ssyncadd.s32 $0xFFFFD800  }
0x7b: {  	[tilespmem:s18], [sflag:$0x1] =	stream.indirect.gather [hbm4b:s1+s21], $0x80, s25, s21, $0xb8;
	[tilespmem:$0x18800] =	vst v63  }
0x7c: {  	s24 =	sadd.s32 $0x1, s24;
	_ =	swait.ge [sflag:s19], $0x2800  }
0x7d: {  	p0 =	sne.s32 s24, $0x5;
	[sflag:s19] =	ssyncset.done $0x0  }
.Ltmp3:
0x7e: {  	s25 =	sadd.s32 $0x1000, s25;
	[sflag:s19] =	ssyncadd.s32 $0xFFFFD800;
	(pc) =	sbr.rel @p0 .LBB2_4-.Ltmp3, $4  }
0x7f: {  	[spmem:s2] =	stream.indirect.scatter.add.f32 [tilespmem:s18], [sflag:$0x1], $0x80, s25, s21, $0xb8;
	[tilespmem:$0x18800] =	vst v63  }
0x80: {  	_ =	swait.ge [sflag:s19], $0x2800  }
0x81: {  	[sflag:s19] =	ssyncset.done $0x0  }
0x82: {  	[sflag:s19] =	ssyncadd.s32 $0xFFFFD800  }
0x83: {  	s23 =	sadd.s32 $0x1, s23  }
0x84: {  	p0 =	sne.s32 s23, s10  }
.Ltmp4:
0x85: {  	[bflag:$0x0] =	sbarrier.arrive $0xFFFF;
	s24 =	sshrl.u32 s9, $0x3;
	(pc) =	sbr.rel @p0 .LBB2_1-.Ltmp4, $4  }
0x86: {  	[hbm:s8], [sflag:s22] =	dma.local [spmem:s24], $0x2800  }
0x87: {  	_ =	swait.ge [sflag:s19], $0x2800  }
0x88: {  	[sflag:s19] =	ssyncset.done $0x0  }
0x89: {  	[sflag:s19] =	ssyncadd.s32 $0xFFFFD800  }
0x8a: {  	_ =	sfence.sel $0x180000  }
0x8b: {  	[bflag:$0x0] =	sbarrier.arrive $0xFFFF  }
0x8c: {  	p0 =	sne.s32 s3, $0x0;
	_ =	strace $0x9000004A  }
0x8d: {  	s0 =	sadd.s32 @!p0 $0x100000, s0;
	[bflag:$0x2] =	sbarrier.arrive $0xFFFF  }
0x8e: {  	[sflag:s0] =	ssyncadd.tile.s32 @!p0 $0x1;
	_ =	shalt  }
.Lfunc_end2:
_tile_overlayer_lowered:
.L_overlay_start_2:
0x8f: {  	(tag) =	ssettag $0x2  }
0x90: {  	s0 =	rddreg [dreg:$0x0];
	s2 =	stileid.u32  }
0x91: {  	s1 =	rddreg [dreg:$0x1];
	p0 =	sne.s32 s2, $0x0  }
0x92: {  	s3 =	rddreg [dreg:$0x2];
	[bflag:$0x3] =	sbarrier.arrive $0xFFFF;
	s2 =	simm.s32 @!p0 $0x1C01  }
0x93: {  	[timem:s3], [sflag:s2] =	dma.local @!p0 [hbm:s0], s1  }
0x94: {  	s0 =	simm.s32 @!p0 $0x1  }
0x95: {  	_ =	swait.ge @!p0 [sflag:s0], s1  }
0x96: {  	s1 =	ssub.s32 @!p0 $0x0, s1;
	[sflag:s0] =	ssyncset.done @!p0 $0x0  }
0x97: {  	[sflag:s0] =	ssyncadd.s32 @!p0 s1  }
0x98: {  	[bflag:$0x3] =	sbarrier.arrive $0xFFFF  }
0x99: {  	_ =	shalt  }

// kernel: kernel.18.cloned.1.call-start
scs
__scs_entry_jumppad:
0x0: {  	(pc) =	sbr.rel $0x88, $3  }
0x1: {  	(tag) =	ssettag $0x0;
	lr =	simm.s32 $0x1  }
0x2: {  	[smem:$0x3F96] =	sst lr;
	_ =	strace $0xD0000000  }
0x3: {  	_ = 	snop  }
0x4: {  	_ = 	snop  }
0x5: {  	_ = 	snop  }
0x6: {  	_ = 	snop  }
0x7: {  	_ = 	snop  }
__scs_overlays_trampoline_lowered:
0x8: {  	[smem:$0x3FA5] =	sst s0  }
0x9: {  	[smem:$0x3FA6] =	sst s1  }
0xa: {  	[smem:$0x3FA7] =	sst s2  }
0xb: {  	[smem:$0x3FA8] =	sst s3  }
0xc: {  	[smem:$0x3FA9] =	sst s4  }
0xd: {  	[smem:$0x3FAA] =	sst s5  }
0xe: {  	[smem:$0x3FAB] =	sst s6  }
0xf: {  	[smem:$0x3FAC] =	sst s7  }
0x10: {  	[smem:$0x3FAD] =	sst s8  }
0x11: {  	[smem:$0x3FAE] =	sst s9;
	s0 =	simm.s32 @!p0 $0x0  }
0x12: {  	s1 =	sld [smem:$0x3F94];
	s0 =	simm.s32 @p0 $0x1  }
0x13: {  	[smem:$0x3FAF] =	sst s0;
	s0 =	simm.s32 @!p1 $0x0  }
0x14: {  	s2 =	sld [smem:$0x3F93];
	s0 =	simm.s32 @p1 $0x1  }
0x15: {  	[smem:$0x3FB0] =	sst s0;
	s0 =	simm.s32 @!p2 $0x0  }
0x16: {  	s3 =	sld [smem:$0x3FDB];
	s0 =	simm.s32 @p2 $0x1  }
0x17: {  	s4 =	simm.s32 $0x1BF5;
	[smem:$0x3FB2] =	sst s0  }
0x18: {  	s0 =	sld [smem:$0x3F95];
	_ =	swait.ge [sflag:s4], $0x0  }
0x19: {  	s7 =	sld [smem:$0x3F96]  }
0x1a: {  	s8 =	sadd.s32 $0xFFFFE003, lr  }
0x1b: {  	s9 =	sadd.s32 $0xFFFFFEF7, lr;
	s5 =	simm.s32 $0xFFFFFFFF;
	p2 =	slt.u32 s8, $0xFFFFF086  }
0x1c: {  	p1 =	slt.u32 s9, $0xF7A;
	s5 =	simm.s32 @!p2 $0x0  }
0x1d: {  	s5 =	simm.s32 @p1 $0x1;
	p0 =	seq.s32 s7, s2  }
0x1e: {  	s7 =	smul.u32 @!p0 $0xF7A, s2;
	p2 =	seq.s32 @!p0 s5, $0x0  }
0x1f: {  	s9 =	smul.u32 $0xF7A, s1;
	s8 =	simm.s32 @!p0 $0x1BF5;
	p2 =	por !p2, p0  }
0x20: {  	[sflag:s8] =	ssyncset.s32 @!p0 $0xFFFFF086;
	s6 =	sadd.s32 @!p0 s3, s7;
	s7 =	simm.s32 @!p0 $0x108  }
0x21: {  	s3 =	sadd.s32 s3, s9;
	s6 =	sadd.s32 @!p0 $0x88, s6;
	s7 =	simm.s32 @p2 $0x1082  }
0x22: {  	[simem:s7], [sflag:s8] =	dma.local @!p0 [hbm:s6], $0xF7A  }
0x23: {  	s9 =	sor.u32 $0xD0000000, s2;
	s6 =	simm.s32 $0x108;
	_ =	swait.ge @!p0 [sflag:s8], $0x0  }
0x24: {  	s3 =	sadd.s32 $0x88, s3;
	s6 =	simm.s32 @!p1 $0x1082;
	[sflag:s4] =	ssyncset.s32 $0xFFFFF086  }
0x25: {  	[simem:s6], [sflag:s4] =	dma.local [hbm:s3], $0xF7A  }
0x26: {  	[smem:$0x3F96] =	sst s1;
	(tag) =	ssettag s2;
	_ =	strace s9  }
0x27: {  	s1 =	sld [smem:$0x3FA6]  }
0x28: {  	s2 =	sld [smem:$0x3FA7]  }
0x29: {  	s4 =	sld [smem:$0x3FA9]  }
0x2a: {  	p0 =	seq.s32 s5, $0x0;
	s5 =	sld [smem:$0x3FAA]  }
0x2b: {  	s6 =	sld [smem:$0x3FAB]  }
0x2c: {  	s7 =	sld [smem:$0x3FAC]  }
0x2d: {  	s3 =	simm.s32 $0x108;
	s8 =	sld [smem:$0x3FAD]  }
0x2e: {  	s3 =	simm.s32 @!p0 $0x1082;
	s9 =	sld [smem:$0x3FAE]  }
0x2f: {  	lr =	sadd.s32 s0, s3;
	s0 =	sld [smem:$0x3FA5]  }
0x30: {  	s3 =	sld [smem:$0x3FA8]  }
0x31: {  	[smem:$0x3FB1] =	sst s10  }
0x32: {  	s10 =	sld [smem:$0x3FAF];
	_ =	sdelay $0x3  }
0x33: {  	p0 =	seq.s32 s10, $0x1;
	s10 =	sld [smem:$0x3FB1];
	_ =	sdelay $0x3  }
0x34: {  	[smem:$0x3FB1] =	sst s10  }
0x35: {  	s10 =	sld [smem:$0x3FB0];
	_ =	sdelay $0x3  }
0x36: {  	p1 =	seq.s32 s10, $0x1;
	s10 =	sld [smem:$0x3FB1];
	_ =	sdelay $0x3  }
0x37: {  	[smem:$0x3FB1] =	sst s10  }
0x38: {  	s10 =	sld [smem:$0x3FB2]  }
0x39: {  	_ = 	snop;
	(pc) =	sbr.ind lr, $3  }
0x3a: {  	_ = 	snop  }
0x3b: {  	_ = 	snop  }
0x3c: {  	p2 =	seq.s32 s10, $0x1;
	s10 =	sld [smem:$0x3FB1]  }
0x3d: {  	_ =	shalt  }
0x3e: {  	_ =	shalt  }
0x3f: {  	_ =	shalt  }
0x40: {  	_ =	shalt  }
0x41: {  	_ =	shalt  }
0x42: {  	_ =	shalt  }
0x43: {  	_ =	shalt  }
0x44: {  	_ =	shalt  }
0x45: {  	_ =	shalt  }
0x46: {  	_ =	shalt  }
0x47: {  	_ =	shalt  }
0x48: {  	_ =	shalt  }
0x49: {  	_ =	shalt  }
0x4a: {  	_ =	shalt  }
0x4b: {  	_ =	shalt  }
0x4c: {  	_ =	shalt  }
0x4d: {  	_ =	shalt  }
0x4e: {  	_ =	shalt  }
0x4f: {  	_ =	shalt  }
0x50: {  	_ =	shalt  }
0x51: {  	_ =	shalt  }
0x52: {  	_ =	shalt  }
0x53: {  	_ =	shalt  }
0x54: {  	_ =	shalt  }
0x55: {  	_ =	shalt  }
0x56: {  	_ =	shalt  }
0x57: {  	_ =	shalt  }
0x58: {  	_ =	shalt  }
0x59: {  	_ =	shalt  }
0x5a: {  	_ =	shalt  }
0x5b: {  	_ =	shalt  }
0x5c: {  	_ =	shalt  }
0x5d: {  	_ =	shalt  }
0x5e: {  	_ =	shalt  }
0x5f: {  	_ =	shalt  }
0x60: {  	_ =	shalt  }
0x61: {  	_ =	shalt  }
0x62: {  	_ =	shalt  }
0x63: {  	_ =	shalt  }
0x64: {  	_ =	shalt  }
0x65: {  	_ =	shalt  }
0x66: {  	_ =	shalt  }
0x67: {  	_ =	shalt  }
0x68: {  	_ =	shalt  }
0x69: {  	_ =	shalt  }
0x6a: {  	_ =	shalt  }
0x6b: {  	_ =	shalt  }
0x6c: {  	_ =	shalt  }
0x6d: {  	_ =	shalt  }
0x6e: {  	_ =	shalt  }
0x6f: {  	_ =	shalt  }
0x70: {  	_ =	shalt  }
0x71: {  	_ =	shalt  }
0x72: {  	_ =	shalt  }
0x73: {  	_ =	shalt  }
0x74: {  	_ =	shalt  }
0x75: {  	_ =	shalt  }
0x76: {  	_ =	shalt  }
0x77: {  	_ =	shalt  }
0x78: {  	_ =	shalt  }
0x79: {  	_ =	shalt  }
0x7a: {  	_ =	shalt  }
0x7b: {  	_ =	shalt  }
0x7c: {  	_ =	shalt  }
0x7d: {  	_ =	shalt  }
0x7e: {  	_ =	shalt  }
0x7f: {  	_ =	shalt  }
0x80: {  	_ =	shalt  }
0x81: {  	_ =	shalt  }
0x82: {  	_ =	shalt  }
0x83: {  	_ =	shalt  }
0x84: {  	_ =	shalt  }
0x85: {  	_ =	shalt  }
0x86: {  	_ =	shalt  }
0x87: {  	_ =	shalt  }
.Lfunc_end0:
.L_simem_size_0:
called_computation.2_lowered:
.L_overlay_start_0:
0x88: {  	s2 =	sld [smem:$0x3FD9]  }
0x89: {  	s3 =	sld [smem:$0x3FFE];
	_ =	sdelay $0x1  }
0x8a: {  	s1 =	srdreg.scid  }
0x8b: {  	s0 =	sand.u32 $0x1, s1  }
0x8c: {  	s17 =	sshll.u32 s0, $0xA;
	s2 =	sadd.s32 s3, s2  }
0x8d: {  	s2 =	sadd.s32 s2, s17  }
0x8e: {  	[smem:$0x3FBD] =	sst s2  }
0x8f: {  	_ = 	snop  }
0x90: {  	s2 =	sld [smem:$0x3FD0];
	(tm) =	ssettm $0x1  }
0x91: {  	s18 =	sld [smem:$0x3FFB];
	_ =	sdelay $0x3  }
0x92: {  	_ =	strace s18  }
0x93: {  	s3 =	sld [smem:$0x3FFC];
	_ =	sdelay $0x3  }
0x94: {  	_ =	strace s3  }
0x95: {  	s3 =	sld [smem:$0x3FFD];
	_ =	sdelay $0x3  }
0x96: {  	_ =	strace s3  }
0x97: {  	_ =	strace $0x8FFFFFFF  }
0x98: {  	s19 =	sld [smem:$0x3FDB];
	_ =	sdelay $0x1  }
0x99: {  	s4 =	simm.s32 $_scs_section_size  }
0x9a: {  	s5 =	simm.s32 $_size__tile_overlayer_lowered;
	s6 =	simm.s32 $_tile_overlayer_lowered  }
0x9b: {  	s22 =	simm.s32 $0x1BFF;
	s21 =	sshll.u32 s6, $0x1;
	s3 =	sadd.s32 s4, s19  }
0x9c: {  	s7 =	simm.s32 $0x0;
	s20 =	sshll.u32 s5, $0x1;
	s5 =	sadd.s32 s21, s3  }
0x9d: {  	[timem:s7], [sflag:s22] =	dma.local [hbm:s5], s20  }
0x9e: {  	_ =	swait.ge [sflag:s22], s20  }
0x9f: {  	s4 =	ssub.s32 $0x0, s20;
	[sflag:s22] =	ssyncset.done $0x0  }
0xa0: {  	[sflag:s22] =	ssyncadd.s32 s4;
	_ =	sdelay $0x1  }
0xa1: {  	s23 =	simm.s32 $0x1B8B  }
0xa2: {  	_ =	swait.ge [sflag:s23], $0x1  }
0xa3: {  	[sflag:s23] =	ssyncset.done $0x0  }
0xa4: {  	s25 =	simm.s32 $0x1B8E;
	s24 =	sld [smem:$0x3FFE];
	[sflag:s23] =	ssyncadd.s32 $0xFFFFFFFF  }
0xa5: {  	s26 =	simm.s32 $execute0_lowered;
	[smem:$0x3FD2] =	sst s25  }
0xa6: {  	s5 =	sshll.u32 s26, $0x1;
	_ =	strace $0x8000004C;
	[dreg:$0x1] =	wrdreg $0xFFFFFFFF  }
0xa7: {  	s28 =	simm.s32 $_size_execute0_lowered;
	s3 =	sadd.s32 s3, s5;
	[dreg:$0x0] =	wrdreg $0x0  }
0xa8: {  	s5 =	sshll.u32 s28, $0x1;
	[dreg:$0x2] =	wrdreg s3  }
0xa9: {  	[dreg:$0x3] =	wrdreg s5  }
0xaa: {  	[dreg:$0x4] =	wrdreg $0xC0  }
0xab: {  	_ =	task [dreg:s7], $0x5FFFF  }
0xac: {  	[dreg:$0x1] =	wrdreg $0xFFFFFFFF  }
0xad: {  	[dreg:$0x0] =	wrdreg $0x60  }
0xae: {  	[dreg:$0x2] =	wrdreg s2  }
0xaf: {  	[dreg:$0x3] =	wrdreg s24  }
0xb0: {  	[dreg:$0x4] =	wrdreg $0x48000  }
0xb1: {  	[dreg:$0x5] =	wrdreg $0x9  }
0xb2: {  	_ =	task.clear_ibuf [dreg:s7], $0x6FFFF;
	_ =	strace $0x9000004C  }
0xb3: {  	s29 =	simm.s32 $0x9;
	_ =	strace $0x8000004E  }
0xb4: {  	_ =	swait.ge [sflag:s29], $0x1  }
0xb5: {  	[sflag:s29] =	ssyncadd.s32 $0xFFFFFFFF  }
0xb6: {  	_ =	strace $0x9000004E  }
0xb7: {  	_ =	sfence  }
0xb8: {  	s30 =	sld [smem:$0x0];
	_ =	sdelay $0x2  }
0xb9: {  	s31 =	sshll.u32 s1, $0xD;
	s1 =	sshrl.u32 s1, $0x2  }
0xba: {  	s3 =	sand.u32 $0x4000, s31;
	s1 =	sadd.s32 s1, s30  }
0xbb: {  	s0 =	sor.u32 s3, s0;
	s1 =	sshll.u32 s1, $0x11  }
0xbc: {  	s0 =	sor.u32 s1, s0  }
0xbd: {  	s0 =	sadd.s32 $0x8F2B, s0  }
0xbe: {  	[sflag:s0] =	ssyncadd.remote.s32 $0x1  }
0xbf: {  	_ =	sfence.sel $0xFFFF  }
0xc0: {  	[dreg:$0x0] =	wrdreg $0xFFFFFFFF;
	(pc) =	sbr.abs _section_cstart, $3  }
0xc1: {  	[dreg:$0x1] =	wrdreg $0xFFFFFFFF  }
0xc2: {  	_ =	task.clear_ibuf [dreg:s7], $0x2FFFF;
	_ =	strace $0x9FFFFFFF  }
0xc3: {  	(tm) =	ssettm $0x7FFFFFFF  }
tec
execute0_lowered:
.L_overlay_start_1:
0x0: {  	(tag) =	ssettag $0x1  }
0x1: {  	s1 =	rddreg [dreg:$0x0]  }
0x2: {  	s7 =	rddreg [dreg:$0x1]  }
0x3: {  	s2 =	rddreg [dreg:$0x2];
	s3 =	srdreg.scid  }
0x4: {  	s0 =	rddreg [dreg:$0x3];
	s4 =	simm.s32 $0x0;
	s18 =	simm.s32 $0x2000  }
0x5: {  	s19 =	simm.s32 $0x1;
	s20 =	simm.s32 $0x1000;
	s21 =	sand.u32 $0x1, s3  }
0x6: {  	s23 =	simm.s32 $0x0;
	s3 =	stileid.u32;
	s6 =	smul.u32 $0x140000, s21  }
0x7: {  	[smem:$0x7FF] =	sst s4;
	s5 =	sadd.s32 $0x2E00, s7;
	s8 =	smul.u32 $0x14000, s3  }
0x8: {  	_ =	strace $0x8000004D;
	s9 =	ssub.s32 $0x2, s21;
	s10 =	smul.u32 $0x50000, s3  }
0x9: {  	s22 =	sshll.u32 s3, $0x6;
	v0 =	vmov s21;
	s21 =	simm.s32 $0x50;
	s11 =	sshrl.u32 s9, $0x1  }
0xa: {  	s22 =	sor.u32 $0x1C01, s22;
	s8 =	sadd.s32 s8, s6;
	s6 =	sadd.s32 $0xCE00, s7  }
0xb: {  	s11 =	ssub.s32 s9, s11;
	s31 =	sshrl.u32 s10, $0x2;
	s8 =	sshrl.u32 s8, $0x3  }
0xc: {  	s9 =	sadd.s32 s31, s2;
	s10 =	smax.u32 s11, $0x1;
	s8 =	sadd.s32 s8, s7  }
0xd: {  	s7 =	smul.u32 $0x5000, s3;
	s11 =	sadd.s32 $0x2800, s9;
	s12 =	sadd.s32 $0x5000, s9  }
0xe: {  	s13 =	sadd.s32 $0x7800, s9;
	s14 =	sadd.s32 $0xA000, s9;
	s15 =	sadd.s32 $0xC800, s9  }
0xf: {  	v1 =	vimm.f32 $0.0e+00;
	s16 =	sadd.s32 $0xF000, s9;
	s17 =	sadd.s32 $0x11800, s9;
	s8 =	sadd.s32 $0x16E00, s8  }
.LBB2_1:
0x10: {  	s24 =	simm.s32 $0x70;
	s25 =	simm.s32 $0x3C0  }
.LBB2_2:
0x11: {  	p0 =	sne.s32 s25, $0x9FC0;
	[tilespmem:s24+$0x2000] =	vst v1  }
0x12: {  	[tilespmem:s24+$0x1F90] =	vst v1  }
0x13: {  	[tilespmem:s24+$0x1FA0] =	vst v1  }
.Ltmp0:
0x14: {  	[tilespmem:s24+$0x1FB0] =	vst v1;
	(pc) =	sbr.rel @p0 .LBB2_2-.Ltmp0, $4  }
0x15: {  	[tilespmem:s24+$0x1FC0] =	vst v1  }
0x16: {  	[tilespmem:s24+$0x1FD0] =	vst v1  }
0x17: {  	[tilespmem:s24+$0x1FE0] =	vst v1  }
0x18: {  	[tilespmem:s24+$0x1FF0] =	vst v1;
	s24 =	sshra.s32 s25, $0x2;
	s25 =	sadd.s32 $0x200, s25  }
0x19: {  	[tilespmem:s24+$0x2000] =	vst v1  }
0x1a: {  	[tilespmem:s24+$0x1F90] =	vst v1  }
0x1b: {  	[tilespmem:s24+$0x1FA0] =	vst v1  }
0x1c: {  	[tilespmem:s24+$0x1FB0] =	vst v1  }
0x1d: {  	[tilespmem:s24+$0x1FC0] =	vst v1  }
0x1e: {  	[tilespmem:s24+$0x1FD0] =	vst v1  }
0x1f: {  	[tilespmem:s24+$0x1FE0] =	vst v1  }
0x20: {  	[tilespmem:s24+$0x1FF0] =	vst v1  }
0x21: {  	[spmem:s9] =	stream.linear.scatter [tilespmem:s18], [sflag:$0x1], $0x2800, $0x38;
	[tilespmem:$0x18800] =	vst v63  }
0x22: {  	_ =	swait.ge [sflag:s19], $0x2800  }
0x23: {  	[sflag:s19] =	ssyncset.done $0x0  }
0x24: {  	[sflag:s19] =	ssyncadd.s32 $0xFFFFD800  }
0x25: {  	[spmem:s11] =	stream.linear.scatter [tilespmem:s18], [sflag:$0x1], $0x2800, $0x38;
	[tilespmem:$0x18800] =	vst v63  }
0x26: {  	_ =	swait.ge [sflag:s19], $0x2800  }
0x27: {  	[sflag:s19] =	ssyncset.done $0x0  }
0x28: {  	[sflag:s19] =	ssyncadd.s32 $0xFFFFD800  }
0x29: {  	[spmem:s12] =	stream.linear.scatter [tilespmem:s18], [sflag:$0x1], $0x2800, $0x38;
	[tilespmem:$0x18800] =	vst v63  }
0x2a: {  	_ =	swait.ge [sflag:s19], $0x2800  }
0x2b: {  	[sflag:s19] =	ssyncset.done $0x0  }
0x2c: {  	[sflag:s19] =	ssyncadd.s32 $0xFFFFD800  }
0x2d: {  	[spmem:s13] =	stream.linear.scatter [tilespmem:s18], [sflag:$0x1], $0x2800, $0x38;
	[tilespmem:$0x18800] =	vst v63  }
0x2e: {  	_ =	swait.ge [sflag:s19], $0x2800  }
0x2f: {  	[sflag:s19] =	ssyncset.done $0x0  }
0x30: {  	[sflag:s19] =	ssyncadd.s32 $0xFFFFD800  }
0x31: {  	[spmem:s14] =	stream.linear.scatter [tilespmem:s18], [sflag:$0x1], $0x2800, $0x38;
	[tilespmem:$0x18800] =	vst v63  }
0x32: {  	_ =	swait.ge [sflag:s19], $0x2800  }
0x33: {  	[sflag:s19] =	ssyncset.done $0x0  }
0x34: {  	[sflag:s19] =	ssyncadd.s32 $0xFFFFD800  }
0x35: {  	[spmem:s15] =	stream.linear.scatter [tilespmem:s18], [sflag:$0x1], $0x2800, $0x38;
	[tilespmem:$0x18800] =	vst v63  }
0x36: {  	_ =	swait.ge [sflag:s19], $0x2800  }
0x37: {  	[sflag:s19] =	ssyncset.done $0x0  }
0x38: {  	[sflag:s19] =	ssyncadd.s32 $0xFFFFD800  }
0x39: {  	[spmem:s16] =	stream.linear.scatter [tilespmem:s18], [sflag:$0x1], $0x2800, $0x38;
	[tilespmem:$0x18800] =	vst v63  }
0x3a: {  	_ =	swait.ge [sflag:s19], $0x2800  }
0x3b: {  	[sflag:s19] =	ssyncset.done $0x0  }
0x3c: {  	[sflag:s19] =	ssyncadd.s32 $0xFFFFD800  }
0x3d: {  	[spmem:s17] =	stream.linear.scatter [tilespmem:s18], [sflag:$0x1], $0x2800, $0x38;
	[tilespmem:$0x18800] =	vst v63  }
0x3e: {  	_ =	swait.ge [sflag:s19], $0x2800  }
0x3f: {  	[sflag:s19] =	ssyncset.done $0x0  }
0x40: {  	[sflag:s19] =	ssyncadd.s32 $0xFFFFD800  }
0x41: {  	s24 =	simm.s32 $0x0;
	[bflag:$0x0] =	sbarrier.arrive $0xFFFF  }
.LBB2_4:
0x42: {  	s25 =	sshll.u32 s24, $0xC  }
0x43: {  	s25 =	sadd.s32 s7, s25  }
0x44: {  	s25 =	sshrl.u32 s25, $0x3  }
0x45: {  	s26 =	sadd.s32 s5, s25  }
0x46: {  	[tilespmem:s4], [sflag:$0x1] =	stream.linear.gather [hbm4b:s26+s4], $0xC80, $0x38;
	[tilespmem:$0x18800] =	vst v63  }
0x47: {  	_ =	swait.ge [sflag:s19], $0xC80  }
0x48: {  	[sflag:s19] =	ssyncset.done $0x0  }
0x49: {  	s25 =	sadd.s32 s6, s25;
	[sflag:s19] =	ssyncadd.s32 $0xFFFFF380  }
0x4a: {  	[tilespmem:s20], [sflag:$0x1] =	stream.linear.gather [hbm4b:s25+s4], $0xC80, $0x38;
	[tilespmem:$0x18800] =	vst v63  }
0x4b: {  	_ =	swait.ge [sflag:s19], $0xC80  }
0x4c: {  	[sflag:s19] =	ssyncset.done $0x0  }
0x4d: {  	s25 =	simm.s32 $0x40;
	[sflag:s19] =	ssyncadd.s32 $0xFFFFF380  }
0x4e: {  	v2 =	vld [tilespmem:s25+$0xFFFFFFC0]  }
0x4f: {  	v3 =	vld [tilespmem:s25+$0xFFFFFFD0]  }
0x50: {  	v4 =	vld [tilespmem:s25+$0xFFFFFFE0]  }
0x51: {  	v5 =	vld [tilespmem:s25+$0x0]  }
0x52: {  	v6 =	vld [tilespmem:s25+$0xFFFFFFF0]  }
0x53: {  	v2 =	vshll.u32 v2, $0x1  }
0x54: {  	v3 =	vshll.u32 v3, $0x1;
	v2 =	vor.u32 v0, v2  }
0x55: {  	s26 =	simm.s32 $0xC0;
	v4 =	vshll.u32 v4, $0x1;
	v3 =	vor.u32 v0, v3;
	[tilespmem:s25+$0xFFFFFFC0] =	vst v2  }
0x56: {  	v5 =	vshll.u32 v5, $0x1;
	v4 =	vor.u32 v0, v4;
	v2 =	vld [tilespmem:s26+$0xFFFFFFC0];
	[tilespmem:s25+$0xFFFFFFD0] =	vst v3  }
0x57: {  	v6 =	vshll.u32 v6, $0x1;
	v7 =	vor.u32 v0, v5;
	v3 =	vld [tilespmem:s26+$0xFFFFFFD0];
	[tilespmem:s25+$0xFFFFFFE0] =	vst v4  }
0x58: {  	s28 =	simm.s32 $0x500;
	v5 =	vor.u32 v0, v6;
	v4 =	vld [tilespmem:s26+$0xFFFFFFE0];
	[tilespmem:s25+$0x0] =	vst v7  }
.LBB2_5:
0x59: {  	p0 =	sne.s32 s28, $0x3100;
	v6 =	vld [tilespmem:s26+$0x0];
	[tilespmem:s25+$0xFFFFFFF0] =	vst v5;
	s25 =	smov.u32 s26  }
0x5a: {  	v5 =	vld [tilespmem:s25+$0xFFFFFFF0]  }
0x5b: {  	v2 =	vshll.u32 v2, $0x1  }
.Ltmp1:
0x5c: {  	v2 =	vor.u32 v0, v2;
	v3 =	vshll.u32 v3, $0x1;
	(pc) =	sbr.rel @p0 .LBB2_5-.Ltmp1, $4  }
0x5d: {  	s26 =	sshra.s32 s28, $0x2;
	[tilespmem:s25+$0xFFFFFFC0] =	vst v2;
	v3 =	vor.u32 v0, v3;
	v4 =	vshll.u32 v4, $0x1  }
0x5e: {  	v2 =	vld [tilespmem:s26+$0xFFFFFFC0];
	[tilespmem:s25+$0xFFFFFFD0] =	vst v3;
	v4 =	vor.u32 v0, v4;
	v6 =	vshll.u32 v6, $0x1  }
0x5f: {  	v3 =	vld [tilespmem:s26+$0xFFFFFFD0];
	[tilespmem:s25+$0xFFFFFFE0] =	vst v4;
	v5 =	vshll.u32 v5, $0x1;
	v6 =	vor.u32 v0, v6  }
0x60: {  	s28 =	sadd.s32 $0x200, s28;
	v4 =	vld [tilespmem:s26+$0xFFFFFFE0];
	v5 =	vor.u32 v0, v5;
	[tilespmem:s25+$0x0] =	vst v6  }
0x61: {  	v6 =	vld [tilespmem:s26+$0x0];
	[tilespmem:s25+$0xFFFFFFF0] =	vst v5  }
0x62: {  	v5 =	vld [tilespmem:s26+$0xFFFFFFF0]  }
0x63: {  	v2 =	vshll.u32 v2, $0x1  }
0x64: {  	v2 =	vor.u32 v0, v2;
	v3 =	vshll.u32 v3, $0x1  }
0x65: {  	[tilespmem:s26+$0xFFFFFFC0] =	vst v2;
	v2 =	vor.u32 v0, v3;
	v3 =	vshll.u32 v4, $0x1  }
0x66: {  	[tilespmem:s26+$0xFFFFFFD0] =	vst v2;
	v2 =	vor.u32 v0, v3;
	v3 =	vshll.u32 v6, $0x1  }
0x67: {  	[tilespmem:s26+$0xFFFFFFE0] =	vst v2;
	v2 =	vshll.u32 v5, $0x1;
	v3 =	vor.u32 v0, v3  }
0x68: {  	v2 =	vor.u32 v0, v2;
	[tilespmem:s26+$0x0] =	vst v3  }
0x69: {  	s30 =	simm.s32 $0x0;
	[tilespmem:s26+$0xFFFFFFF0] =	vst v2  }
0x6a: {  	[tilespmem:s18], [sflag:$0x1] =	stream.indirect.gather [hbm4b:s1+s21], $0x80, s30, s21, $0xb8;
	[tilespmem:$0x18800] =	vst v63  }
0x6b: {  	_ =	swait.ge [sflag:s19], $0x2800  }
0x6c: {  	[sflag:s19] =	ssyncset.done $0x0  }
0x6d: {  	s31 =	simm.s32 $0x1000;
	[sflag:s19] =	ssyncadd.s32 $0xFFFFD800  }
0x6e: {  	[spmem:s2] =	stream.indirect.scatter.add.f32 [tilespmem:s18], [sflag:$0x1], $0x80, s31, s21, $0xb8;
	[tilespmem:$0x18800] =	vst v63  }
0x6f: {  	_ =	swait.ge [sflag:s19], $0x2800  }
0x70: {  	s25 =	simm.s32 $0x200;
	s26 =	simm.s32 $0x400;
	[sflag:s19] =	ssyncset.done $0x0  }
.LBB2_7:
0x71: {  	s28 =	sshra.s32 s25, $0x2  }
0x72: {  	[sflag:s19] =	ssyncadd.s32 $0xFFFFD800;
	s25 =	smov.u32 s26;
	s29 =	sadd.s32 $0x200, s26  }
0x73: {  	[tilespmem:s18], [sflag:$0x1] =	stream.indirect.gather [hbm4b:s1+s21], $0x80, s28, s21, $0xb8;
	[tilespmem:$0x18800] =	vst v63  }
0x74: {  	p0 =	sne.s32 s26, $0x3000;
	_ =	swait.ge [sflag:s19], $0x2800  }
.Ltmp2:
0x75: {  	[sflag:s19] =	ssyncset.done $0x0;
	(pc) =	sbr.rel @p0 .LBB2_7-.Ltmp2, $4  }
0x76: {  	s26 =	sadd.s32 $0x1000, s28;
	[sflag:s19] =	ssyncadd.s32 $0xFFFFD800  }
0x77: {  	[spmem:s2] =	stream.indirect.scatter.add.f32 [tilespmem:s18], [sflag:$0x1], $0x80, s26, s21, $0xb8;
	[tilespmem:$0x18800] =	vst v63  }
0x78: {  	_ =	swait.ge [sflag:s19], $0x2800  }
0x79: {  	s26 =	smov.u32 s29;
	[sflag:s19] =	ssyncset.done $0x0  }
0x7a: {  	s25 =	sshra.s32 s25, $0x2;
	[sflag:s19] =	ssyncadd.s32 $0xFFFFD800  }
0x7b: {  	[tilespmem:s18], [sflag:$0x1] =	stream.indirect.gather [hbm4b:s1+s21], $0x80, s25, s21, $0xb8;
	[tilespmem:$0x18800] =	vst v63  }
0x7c: {  	s24 =	sadd.s32 $0x1, s24;
	_ =	swait.ge [sflag:s19], $0x2800  }
0x7d: {  	p0 =	sne.s32 s24, $0x5;
	[sflag:s19] =	ssyncset.done $0x0  }
.Ltmp3:
0x7e: {  	s25 =	sadd.s32 $0x1000, s25;
	[sflag:s19] =	ssyncadd.s32 $0xFFFFD800;
	(pc) =	sbr.rel @p0 .LBB2_4-.Ltmp3, $4  }
0x7f: {  	[spmem:s2] =	stream.indirect.scatter.add.f32 [tilespmem:s18], [sflag:$0x1], $0x80, s25, s21, $0xb8;
	[tilespmem:$0x18800] =	vst v63  }
0x80: {  	_ =	swait.ge [sflag:s19], $0x2800  }
0x81: {  	[sflag:s19] =	ssyncset.done $0x0  }
0x82: {  	[sflag:s19] =	ssyncadd.s32 $0xFFFFD800  }
0x83: {  	s23 =	sadd.s32 $0x1, s23  }
0x84: {  	p0 =	sne.s32 s23, s10  }
.Ltmp4:
0x85: {  	[bflag:$0x0] =	sbarrier.arrive $0xFFFF;
	s24 =	sshrl.u32 s9, $0x3;
	(pc) =	sbr.rel @p0 .LBB2_1-.Ltmp4, $4  }
0x86: {  	[hbm:s8], [sflag:s22] =	dma.local [spmem:s24], $0x2800  }
0x87: {  	_ =	swait.ge [sflag:s19], $0x2800  }
0x88: {  	[sflag:s19] =	ssyncset.done $0x0  }
0x89: {  	[sflag:s19] =	ssyncadd.s32 $0xFFFFD800  }
0x8a: {  	_ =	sfence.sel $0x180000  }
0x8b: {  	[bflag:$0x0] =	sbarrier.arrive $0xFFFF  }
0x8c: {  	p0 =	sne.s32 s3, $0x0;
	_ =	strace $0x9000004D  }
0x8d: {  	s0 =	sadd.s32 @!p0 $0x100000, s0;
	[bflag:$0x2] =	sbarrier.arrive $0xFFFF  }
0x8e: {  	[sflag:s0] =	ssyncadd.tile.s32 @!p0 $0x1;
	_ =	shalt  }
.Lfunc_end2:
_tile_overlayer_lowered:
.L_overlay_start_2:
0x8f: {  	(tag) =	ssettag $0x2  }
0x90: {  	s0 =	rddreg [dreg:$0x0];
	s2 =	stileid.u32  }
0x91: {  	s1 =	rddreg [dreg:$0x1];
	p0 =	sne.s32 s2, $0x0  }
0x92: {  	s3 =	rddreg [dreg:$0x2];
	[bflag:$0x3] =	sbarrier.arrive $0xFFFF;
	s2 =	simm.s32 @!p0 $0x1C01  }
0x93: {  	[timem:s3], [sflag:s2] =	dma.local @!p0 [hbm:s0], s1  }
0x94: {  	s0 =	simm.s32 @!p0 $0x1  }
0x95: {  	_ =	swait.ge @!p0 [sflag:s0], s1  }
0x96: {  	s1 =	ssub.s32 @!p0 $0x0, s1;
	[sflag:s0] =	ssyncset.done @!p0 $0x0  }
0x97: {  	[sflag:s0] =	ssyncadd.s32 @!p0 s1  }
0x98: {  	[bflag:$0x3] =	sbarrier.arrive $0xFFFF  }
0x99: {  	_ =	shalt  }

// kernel: kernel.21.cloned.1.call-start
scs
__scs_entry_jumppad:
0x0: {  	(pc) =	sbr.rel $0x88, $3  }
0x1: {  	(tag) =	ssettag $0x0;
	lr =	simm.s32 $0x1  }
0x2: {  	[smem:$0x3F96] =	sst lr;
	_ =	strace $0xD0000000  }
0x3: {  	_ = 	snop  }
0x4: {  	_ = 	snop  }
0x5: {  	_ = 	snop  }
0x6: {  	_ = 	snop  }
0x7: {  	_ = 	snop  }
__scs_overlays_trampoline_lowered:
0x8: {  	[smem:$0x3FA5] =	sst s0  }
0x9: {  	[smem:$0x3FA6] =	sst s1  }
0xa: {  	[smem:$0x3FA7] =	sst s2  }
0xb: {  	[smem:$0x3FA8] =	sst s3  }
0xc: {  	[smem:$0x3FA9] =	sst s4  }
0xd: {  	[smem:$0x3FAA] =	sst s5  }
0xe: {  	[smem:$0x3FAB] =	sst s6  }
0xf: {  	[smem:$0x3FAC] =	sst s7  }
0x10: {  	[smem:$0x3FAD] =	sst s8  }
0x11: {  	[smem:$0x3FAE] =	sst s9;
	s0 =	simm.s32 @!p0 $0x0  }
0x12: {  	s1 =	sld [smem:$0x3F94];
	s0 =	simm.s32 @p0 $0x1  }
0x13: {  	[smem:$0x3FAF] =	sst s0;
	s0 =	simm.s32 @!p1 $0x0  }
0x14: {  	s2 =	sld [smem:$0x3F93];
	s0 =	simm.s32 @p1 $0x1  }
0x15: {  	[smem:$0x3FB0] =	sst s0;
	s0 =	simm.s32 @!p2 $0x0  }
0x16: {  	s3 =	sld [smem:$0x3FDB];
	s0 =	simm.s32 @p2 $0x1  }
0x17: {  	s4 =	simm.s32 $0x1BF5;
	[smem:$0x3FB2] =	sst s0  }
0x18: {  	s0 =	sld [smem:$0x3F95];
	_ =	swait.ge [sflag:s4], $0x0  }
0x19: {  	s7 =	sld [smem:$0x3F96]  }
0x1a: {  	s8 =	sadd.s32 $0xFFFFE003, lr  }
0x1b: {  	s9 =	sadd.s32 $0xFFFFFEF7, lr;
	s5 =	simm.s32 $0xFFFFFFFF;
	p2 =	slt.u32 s8, $0xFFFFF086  }
0x1c: {  	p1 =	slt.u32 s9, $0xF7A;
	s5 =	simm.s32 @!p2 $0x0  }
0x1d: {  	s5 =	simm.s32 @p1 $0x1;
	p0 =	seq.s32 s7, s2  }
0x1e: {  	s7 =	smul.u32 @!p0 $0xF7A, s2;
	p2 =	seq.s32 @!p0 s5, $0x0  }
0x1f: {  	s9 =	smul.u32 $0xF7A, s1;
	s8 =	simm.s32 @!p0 $0x1BF5;
	p2 =	por !p2, p0  }
0x20: {  	[sflag:s8] =	ssyncset.s32 @!p0 $0xFFFFF086;
	s6 =	sadd.s32 @!p0 s3, s7;
	s7 =	simm.s32 @!p0 $0x108  }
0x21: {  	s3 =	sadd.s32 s3, s9;
	s6 =	sadd.s32 @!p0 $0x88, s6;
	s7 =	simm.s32 @p2 $0x1082  }
0x22: {  	[simem:s7], [sflag:s8] =	dma.local @!p0 [hbm:s6], $0xF7A  }
0x23: {  	s9 =	sor.u32 $0xD0000000, s2;
	s6 =	simm.s32 $0x108;
	_ =	swait.ge @!p0 [sflag:s8], $0x0  }
0x24: {  	s3 =	sadd.s32 $0x88, s3;
	s6 =	simm.s32 @!p1 $0x1082;
	[sflag:s4] =	ssyncset.s32 $0xFFFFF086  }
0x25: {  	[simem:s6], [sflag:s4] =	dma.local [hbm:s3], $0xF7A  }
0x26: {  	[smem:$0x3F96] =	sst s1;
	(tag) =	ssettag s2;
	_ =	strace s9  }
0x27: {  	s1 =	sld [smem:$0x3FA6]  }
0x28: {  	s2 =	sld [smem:$0x3FA7]  }
0x29: {  	s4 =	sld [smem:$0x3FA9]  }
0x2a: {  	p0 =	seq.s32 s5, $0x0;
	s5 =	sld [smem:$0x3FAA]  }
0x2b: {  	s6 =	sld [smem:$0x3FAB]  }
0x2c: {  	s7 =	sld [smem:$0x3FAC]  }
0x2d: {  	s3 =	simm.s32 $0x108;
	s8 =	sld [smem:$0x3FAD]  }
0x2e: {  	s3 =	simm.s32 @!p0 $0x1082;
	s9 =	sld [smem:$0x3FAE]  }
0x2f: {  	lr =	sadd.s32 s0, s3;
	s0 =	sld [smem:$0x3FA5]  }
0x30: {  	s3 =	sld [smem:$0x3FA8]  }
0x31: {  	[smem:$0x3FB1] =	sst s10  }
0x32: {  	s10 =	sld [smem:$0x3FAF];
	_ =	sdelay $0x3  }
0x33: {  	p0 =	seq.s32 s10, $0x1;
	s10 =	sld [smem:$0x3FB1];
	_ =	sdelay $0x3  }
0x34: {  	[smem:$0x3FB1] =	sst s10  }
0x35: {  	s10 =	sld [smem:$0x3FB0];
	_ =	sdelay $0x3  }
0x36: {  	p1 =	seq.s32 s10, $0x1;
	s10 =	sld [smem:$0x3FB1];
	_ =	sdelay $0x3  }
0x37: {  	[smem:$0x3FB1] =	sst s10  }
0x38: {  	s10 =	sld [smem:$0x3FB2]  }
0x39: {  	_ = 	snop;
	(pc) =	sbr.ind lr, $3  }
0x3a: {  	_ = 	snop  }
0x3b: {  	_ = 	snop  }
0x3c: {  	p2 =	seq.s32 s10, $0x1;
	s10 =	sld [smem:$0x3FB1]  }
0x3d: {  	_ =	shalt  }
0x3e: {  	_ =	shalt  }
0x3f: {  	_ =	shalt  }
0x40: {  	_ =	shalt  }
0x41: {  	_ =	shalt  }
0x42: {  	_ =	shalt  }
0x43: {  	_ =	shalt  }
0x44: {  	_ =	shalt  }
0x45: {  	_ =	shalt  }
0x46: {  	_ =	shalt  }
0x47: {  	_ =	shalt  }
0x48: {  	_ =	shalt  }
0x49: {  	_ =	shalt  }
0x4a: {  	_ =	shalt  }
0x4b: {  	_ =	shalt  }
0x4c: {  	_ =	shalt  }
0x4d: {  	_ =	shalt  }
0x4e: {  	_ =	shalt  }
0x4f: {  	_ =	shalt  }
0x50: {  	_ =	shalt  }
0x51: {  	_ =	shalt  }
0x52: {  	_ =	shalt  }
0x53: {  	_ =	shalt  }
0x54: {  	_ =	shalt  }
0x55: {  	_ =	shalt  }
0x56: {  	_ =	shalt  }
0x57: {  	_ =	shalt  }
0x58: {  	_ =	shalt  }
0x59: {  	_ =	shalt  }
0x5a: {  	_ =	shalt  }
0x5b: {  	_ =	shalt  }
0x5c: {  	_ =	shalt  }
0x5d: {  	_ =	shalt  }
0x5e: {  	_ =	shalt  }
0x5f: {  	_ =	shalt  }
0x60: {  	_ =	shalt  }
0x61: {  	_ =	shalt  }
0x62: {  	_ =	shalt  }
0x63: {  	_ =	shalt  }
0x64: {  	_ =	shalt  }
0x65: {  	_ =	shalt  }
0x66: {  	_ =	shalt  }
0x67: {  	_ =	shalt  }
0x68: {  	_ =	shalt  }
0x69: {  	_ =	shalt  }
0x6a: {  	_ =	shalt  }
0x6b: {  	_ =	shalt  }
0x6c: {  	_ =	shalt  }
0x6d: {  	_ =	shalt  }
0x6e: {  	_ =	shalt  }
0x6f: {  	_ =	shalt  }
0x70: {  	_ =	shalt  }
0x71: {  	_ =	shalt  }
0x72: {  	_ =	shalt  }
0x73: {  	_ =	shalt  }
0x74: {  	_ =	shalt  }
0x75: {  	_ =	shalt  }
0x76: {  	_ =	shalt  }
0x77: {  	_ =	shalt  }
0x78: {  	_ =	shalt  }
0x79: {  	_ =	shalt  }
0x7a: {  	_ =	shalt  }
0x7b: {  	_ =	shalt  }
0x7c: {  	_ =	shalt  }
0x7d: {  	_ =	shalt  }
0x7e: {  	_ =	shalt  }
0x7f: {  	_ =	shalt  }
0x80: {  	_ =	shalt  }
0x81: {  	_ =	shalt  }
0x82: {  	_ =	shalt  }
0x83: {  	_ =	shalt  }
0x84: {  	_ =	shalt  }
0x85: {  	_ =	shalt  }
0x86: {  	_ =	shalt  }
0x87: {  	_ =	shalt  }
.Lfunc_end0:
.L_simem_size_0:
called_computation.3_lowered:
.L_overlay_start_0:
0x88: {  	s2 =	sld [smem:$0x3FD9]  }
0x89: {  	s3 =	sld [smem:$0x3FFE];
	_ =	sdelay $0x1  }
0x8a: {  	s1 =	srdreg.scid  }
0x8b: {  	s0 =	sand.u32 $0x1, s1  }
0x8c: {  	s17 =	sshll.u32 s0, $0xA;
	s2 =	sadd.s32 s3, s2  }
0x8d: {  	s2 =	sadd.s32 s2, s17  }
0x8e: {  	[smem:$0x3FBD] =	sst s2  }
0x8f: {  	_ = 	snop  }
0x90: {  	s2 =	sld [smem:$0x3FD0];
	(tm) =	ssettm $0x1  }
0x91: {  	s18 =	sld [smem:$0x3FFB];
	_ =	sdelay $0x3  }
0x92: {  	_ =	strace s18  }
0x93: {  	s3 =	sld [smem:$0x3FFC];
	_ =	sdelay $0x3  }
0x94: {  	_ =	strace s3  }
0x95: {  	s3 =	sld [smem:$0x3FFD];
	_ =	sdelay $0x3  }
0x96: {  	_ =	strace s3  }
0x97: {  	_ =	strace $0x8FFFFFFF  }
0x98: {  	s19 =	sld [smem:$0x3FDB];
	_ =	sdelay $0x1  }
0x99: {  	s4 =	simm.s32 $_scs_section_size  }
0x9a: {  	s5 =	simm.s32 $_size__tile_overlayer_lowered;
	s6 =	simm.s32 $_tile_overlayer_lowered  }
0x9b: {  	s22 =	simm.s32 $0x1BFF;
	s21 =	sshll.u32 s6, $0x1;
	s3 =	sadd.s32 s4, s19  }
0x9c: {  	s7 =	simm.s32 $0x0;
	s20 =	sshll.u32 s5, $0x1;
	s5 =	sadd.s32 s21, s3  }
0x9d: {  	[timem:s7], [sflag:s22] =	dma.local [hbm:s5], s20  }
0x9e: {  	_ =	swait.ge [sflag:s22], s20  }
0x9f: {  	s4 =	ssub.s32 $0x0, s20;
	[sflag:s22] =	ssyncset.done $0x0  }
0xa0: {  	[sflag:s22] =	ssyncadd.s32 s4;
	_ =	sdelay $0x1  }
0xa1: {  	s23 =	simm.s32 $0x1B8B  }
0xa2: {  	_ =	swait.ge [sflag:s23], $0x1  }
0xa3: {  	[sflag:s23] =	ssyncset.done $0x0  }
0xa4: {  	s25 =	simm.s32 $0x1B8E;
	s24 =	sld [smem:$0x3FFE];
	[sflag:s23] =	ssyncadd.s32 $0xFFFFFFFF  }
0xa5: {  	s26 =	simm.s32 $execute0_lowered;
	[smem:$0x3FD2] =	sst s25  }
0xa6: {  	s5 =	sshll.u32 s26, $0x1;
	_ =	strace $0x8000004F;
	[dreg:$0x1] =	wrdreg $0xFFFFFFFF  }
0xa7: {  	s28 =	simm.s32 $_size_execute0_lowered;
	s3 =	sadd.s32 s3, s5;
	[dreg:$0x0] =	wrdreg $0x0  }
0xa8: {  	s5 =	sshll.u32 s28, $0x1;
	[dreg:$0x2] =	wrdreg s3  }
0xa9: {  	[dreg:$0x3] =	wrdreg s5  }
0xaa: {  	[dreg:$0x4] =	wrdreg $0xC0  }
0xab: {  	_ =	task [dreg:s7], $0x5FFFF  }
0xac: {  	[dreg:$0x1] =	wrdreg $0xFFFFFFFF  }
0xad: {  	[dreg:$0x0] =	wrdreg $0x60  }
0xae: {  	[dreg:$0x2] =	wrdreg s2  }
0xaf: {  	[dreg:$0x3] =	wrdreg s24  }
0xb0: {  	[dreg:$0x4] =	wrdreg $0x48000  }
0xb1: {  	[dreg:$0x5] =	wrdreg $0x9  }
0xb2: {  	_ =	task.clear_ibuf [dreg:s7], $0x6FFFF;
	_ =	strace $0x9000004F  }
0xb3: {  	s29 =	simm.s32 $0x9;
	_ =	strace $0x80000051  }
0xb4: {  	_ =	swait.ge [sflag:s29], $0x1  }
0xb5: {  	[sflag:s29] =	ssyncadd.s32 $0xFFFFFFFF  }
0xb6: {  	_ =	strace $0x90000051  }
0xb7: {  	_ =	sfence  }
0xb8: {  	s30 =	sld [smem:$0x0];
	_ =	sdelay $0x2  }
0xb9: {  	s31 =	sshll.u32 s1, $0xD;
	s1 =	sshrl.u32 s1, $0x2  }
0xba: {  	s3 =	sand.u32 $0x4000, s31;
	s1 =	sadd.s32 s1, s30  }
0xbb: {  	s0 =	sor.u32 s3, s0;
	s1 =	sshll.u32 s1, $0x11  }
0xbc: {  	s0 =	sor.u32 s1, s0  }
0xbd: {  	s0 =	sadd.s32 $0x8F2B, s0  }
0xbe: {  	[sflag:s0] =	ssyncadd.remote.s32 $0x1  }
0xbf: {  	_ =	sfence.sel $0xFFFF  }
0xc0: {  	[dreg:$0x0] =	wrdreg $0xFFFFFFFF;
	(pc) =	sbr.abs _section_cstart, $3  }
0xc1: {  	[dreg:$0x1] =	wrdreg $0xFFFFFFFF  }
0xc2: {  	_ =	task.clear_ibuf [dreg:s7], $0x2FFFF;
	_ =	strace $0x9FFFFFFF  }
0xc3: {  	(tm) =	ssettm $0x7FFFFFFF  }
tec
execute0_lowered:
.L_overlay_start_1:
0x0: {  	(tag) =	ssettag $0x1  }
0x1: {  	s1 =	rddreg [dreg:$0x0]  }
0x2: {  	s7 =	rddreg [dreg:$0x1]  }
0x3: {  	s2 =	rddreg [dreg:$0x2];
	s3 =	srdreg.scid  }
0x4: {  	s0 =	rddreg [dreg:$0x3];
	s4 =	simm.s32 $0x0;
	s18 =	simm.s32 $0x2000  }
0x5: {  	s19 =	simm.s32 $0x1;
	s20 =	simm.s32 $0x1000;
	s21 =	sand.u32 $0x1, s3  }
0x6: {  	s23 =	simm.s32 $0x0;
	s3 =	stileid.u32;
	s6 =	smul.u32 $0x140000, s21  }
0x7: {  	[smem:$0x7FF] =	sst s4;
	s5 =	sadd.s32 $0x2E00, s7;
	s8 =	smul.u32 $0x14000, s3  }
0x8: {  	_ =	strace $0x80000050;
	s9 =	ssub.s32 $0x2, s21;
	s10 =	smul.u32 $0x50000, s3  }
0x9: {  	s22 =	sshll.u32 s3, $0x6;
	v0 =	vmov s21;
	s21 =	simm.s32 $0x50;
	s11 =	sshrl.u32 s9, $0x1  }
0xa: {  	s22 =	sor.u32 $0x1C01, s22;
	s8 =	sadd.s32 s8, s6;
	s6 =	sadd.s32 $0xCE00, s7  }
0xb: {  	s11 =	ssub.s32 s9, s11;
	s31 =	sshrl.u32 s10, $0x2;
	s8 =	sshrl.u32 s8, $0x3  }
0xc: {  	s9 =	sadd.s32 s31, s2;
	s10 =	smax.u32 s11, $0x1;
	s8 =	sadd.s32 s8, s7  }
0xd: {  	s7 =	smul.u32 $0x5000, s3;
	s11 =	sadd.s32 $0x2800, s9;
	s12 =	sadd.s32 $0x5000, s9  }
0xe: {  	s13 =	sadd.s32 $0x7800, s9;
	s14 =	sadd.s32 $0xA000, s9;
	s15 =	sadd.s32 $0xC800, s9  }
0xf: {  	v1 =	vimm.f32 $0.0e+00;
	s16 =	sadd.s32 $0xF000, s9;
	s17 =	sadd.s32 $0x11800, s9;
	s8 =	sadd.s32 $0x16E00, s8  }
.LBB2_1:
0x10: {  	s24 =	simm.s32 $0x70;
	s25 =	simm.s32 $0x3C0  }
.LBB2_2:
0x11: {  	p0 =	sne.s32 s25, $0x9FC0;
	[tilespmem:s24+$0x2000] =	vst v1  }
0x12: {  	[tilespmem:s24+$0x1F90] =	vst v1  }
0x13: {  	[tilespmem:s24+$0x1FA0] =	vst v1  }
.Ltmp0:
0x14: {  	[tilespmem:s24+$0x1FB0] =	vst v1;
	(pc) =	sbr.rel @p0 .LBB2_2-.Ltmp0, $4  }
0x15: {  	[tilespmem:s24+$0x1FC0] =	vst v1  }
0x16: {  	[tilespmem:s24+$0x1FD0] =	vst v1  }
0x17: {  	[tilespmem:s24+$0x1FE0] =	vst v1  }
0x18: {  	[tilespmem:s24+$0x1FF0] =	vst v1;
	s24 =	sshra.s32 s25, $0x2;
	s25 =	sadd.s32 $0x200, s25  }
0x19: {  	[tilespmem:s24+$0x2000] =	vst v1  }
0x1a: {  	[tilespmem:s24+$0x1F90] =	vst v1  }
0x1b: {  	[tilespmem:s24+$0x1FA0] =	vst v1  }
0x1c: {  	[tilespmem:s24+$0x1FB0] =	vst v1  }
0x1d: {  	[tilespmem:s24+$0x1FC0] =	vst v1  }
0x1e: {  	[tilespmem:s24+$0x1FD0] =	vst v1  }
0x1f: {  	[tilespmem:s24+$0x1FE0] =	vst v1  }
0x20: {  	[tilespmem:s24+$0x1FF0] =	vst v1  }
0x21: {  	[spmem:s9] =	stream.linear.scatter [tilespmem:s18], [sflag:$0x1], $0x2800, $0x38;
	[tilespmem:$0x18800] =	vst v63  }
0x22: {  	_ =	swait.ge [sflag:s19], $0x2800  }
0x23: {  	[sflag:s19] =	ssyncset.done $0x0  }
0x24: {  	[sflag:s19] =	ssyncadd.s32 $0xFFFFD800  }
0x25: {  	[spmem:s11] =	stream.linear.scatter [tilespmem:s18], [sflag:$0x1], $0x2800, $0x38;
	[tilespmem:$0x18800] =	vst v63  }
0x26: {  	_ =	swait.ge [sflag:s19], $0x2800  }
0x27: {  	[sflag:s19] =	ssyncset.done $0x0  }
0x28: {  	[sflag:s19] =	ssyncadd.s32 $0xFFFFD800  }
0x29: {  	[spmem:s12] =	stream.linear.scatter [tilespmem:s18], [sflag:$0x1], $0x2800, $0x38;
	[tilespmem:$0x18800] =	vst v63  }
0x2a: {  	_ =	swait.ge [sflag:s19], $0x2800  }
0x2b: {  	[sflag:s19] =	ssyncset.done $0x0  }
0x2c: {  	[sflag:s19] =	ssyncadd.s32 $0xFFFFD800  }
0x2d: {  	[spmem:s13] =	stream.linear.scatter [tilespmem:s18], [sflag:$0x1], $0x2800, $0x38;
	[tilespmem:$0x18800] =	vst v63  }
0x2e: {  	_ =	swait.ge [sflag:s19], $0x2800  }
0x2f: {  	[sflag:s19] =	ssyncset.done $0x0  }
0x30: {  	[sflag:s19] =	ssyncadd.s32 $0xFFFFD800  }
0x31: {  	[spmem:s14] =	stream.linear.scatter [tilespmem:s18], [sflag:$0x1], $0x2800, $0x38;
	[tilespmem:$0x18800] =	vst v63  }
0x32: {  	_ =	swait.ge [sflag:s19], $0x2800  }
0x33: {  	[sflag:s19] =	ssyncset.done $0x0  }
0x34: {  	[sflag:s19] =	ssyncadd.s32 $0xFFFFD800  }
0x35: {  	[spmem:s15] =	stream.linear.scatter [tilespmem:s18], [sflag:$0x1], $0x2800, $0x38;
	[tilespmem:$0x18800] =	vst v63  }
0x36: {  	_ =	swait.ge [sflag:s19], $0x2800  }
0x37: {  	[sflag:s19] =	ssyncset.done $0x0  }
0x38: {  	[sflag:s19] =	ssyncadd.s32 $0xFFFFD800  }
0x39: {  	[spmem:s16] =	stream.linear.scatter [tilespmem:s18], [sflag:$0x1], $0x2800, $0x38;
	[tilespmem:$0x18800] =	vst v63  }
0x3a: {  	_ =	swait.ge [sflag:s19], $0x2800  }
0x3b: {  	[sflag:s19] =	ssyncset.done $0x0  }
0x3c: {  	[sflag:s19] =	ssyncadd.s32 $0xFFFFD800  }
0x3d: {  	[spmem:s17] =	stream.linear.scatter [tilespmem:s18], [sflag:$0x1], $0x2800, $0x38;
	[tilespmem:$0x18800] =	vst v63  }
0x3e: {  	_ =	swait.ge [sflag:s19], $0x2800  }
0x3f: {  	[sflag:s19] =	ssyncset.done $0x0  }
0x40: {  	[sflag:s19] =	ssyncadd.s32 $0xFFFFD800  }
0x41: {  	s24 =	simm.s32 $0x0;
	[bflag:$0x0] =	sbarrier.arrive $0xFFFF  }
.LBB2_4:
0x42: {  	s25 =	sshll.u32 s24, $0xC  }
0x43: {  	s25 =	sadd.s32 s7, s25  }
0x44: {  	s25 =	sshrl.u32 s25, $0x3  }
0x45: {  	s26 =	sadd.s32 s5, s25  }
0x46: {  	[tilespmem:s4], [sflag:$0x1] =	stream.linear.gather [hbm4b:s26+s4], $0xC80, $0x38;
	[tilespmem:$0x18800] =	vst v63  }
0x47: {  	_ =	swait.ge [sflag:s19], $0xC80  }
0x48: {  	[sflag:s19] =	ssyncset.done $0x0  }
0x49: {  	s25 =	sadd.s32 s6, s25;
	[sflag:s19] =	ssyncadd.s32 $0xFFFFF380  }
0x4a: {  	[tilespmem:s20], [sflag:$0x1] =	stream.linear.gather [hbm4b:s25+s4], $0xC80, $0x38;
	[tilespmem:$0x18800] =	vst v63  }
0x4b: {  	_ =	swait.ge [sflag:s19], $0xC80  }
0x4c: {  	[sflag:s19] =	ssyncset.done $0x0  }
0x4d: {  	s25 =	simm.s32 $0x40;
	[sflag:s19] =	ssyncadd.s32 $0xFFFFF380  }
0x4e: {  	v2 =	vld [tilespmem:s25+$0xFFFFFFC0]  }
0x4f: {  	v3 =	vld [tilespmem:s25+$0xFFFFFFD0]  }
0x50: {  	v4 =	vld [tilespmem:s25+$0xFFFFFFE0]  }
0x51: {  	v5 =	vld [tilespmem:s25+$0x0]  }
0x52: {  	v6 =	vld [tilespmem:s25+$0xFFFFFFF0]  }
0x53: {  	v2 =	vshll.u32 v2, $0x1  }
0x54: {  	v3 =	vshll.u32 v3, $0x1;
	v2 =	vor.u32 v0, v2  }
0x55: {  	s26 =	simm.s32 $0xC0;
	v4 =	vshll.u32 v4, $0x1;
	v3 =	vor.u32 v0, v3;
	[tilespmem:s25+$0xFFFFFFC0] =	vst v2  }
0x56: {  	v5 =	vshll.u32 v5, $0x1;
	v4 =	vor.u32 v0, v4;
	v2 =	vld [tilespmem:s26+$0xFFFFFFC0];
	[tilespmem:s25+$0xFFFFFFD0] =	vst v3  }
0x57: {  	v6 =	vshll.u32 v6, $0x1;
	v7 =	vor.u32 v0, v5;
	v3 =	vld [tilespmem:s26+$0xFFFFFFD0];
	[tilespmem:s25+$0xFFFFFFE0] =	vst v4  }
0x58: {  	s28 =	simm.s32 $0x500;
	v5 =	vor.u32 v0, v6;
	v4 =	vld [tilespmem:s26+$0xFFFFFFE0];
	[tilespmem:s25+$0x0] =	vst v7  }
.LBB2_5:
0x59: {  	p0 =	sne.s32 s28, $0x3100;
	v6 =	vld [tilespmem:s26+$0x0];
	[tilespmem:s25+$0xFFFFFFF0] =	vst v5;
	s25 =	smov.u32 s26  }
0x5a: {  	v5 =	vld [tilespmem:s25+$0xFFFFFFF0]  }
0x5b: {  	v2 =	vshll.u32 v2, $0x1  }
.Ltmp1:
0x5c: {  	v2 =	vor.u32 v0, v2;
	v3 =	vshll.u32 v3, $0x1;
	(pc) =	sbr.rel @p0 .LBB2_5-.Ltmp1, $4  }
0x5d: {  	s26 =	sshra.s32 s28, $0x2;
	[tilespmem:s25+$0xFFFFFFC0] =	vst v2;
	v3 =	vor.u32 v0, v3;
	v4 =	vshll.u32 v4, $0x1  }
0x5e: {  	v2 =	vld [tilespmem:s26+$0xFFFFFFC0];
	[tilespmem:s25+$0xFFFFFFD0] =	vst v3;
	v4 =	vor.u32 v0, v4;
	v6 =	vshll.u32 v6, $0x1  }
0x5f: {  	v3 =	vld [tilespmem:s26+$0xFFFFFFD0];
	[tilespmem:s25+$0xFFFFFFE0] =	vst v4;
	v5 =	vshll.u32 v5, $0x1;
	v6 =	vor.u32 v0, v6  }
0x60: {  	s28 =	sadd.s32 $0x200, s28;
	v4 =	vld [tilespmem:s26+$0xFFFFFFE0];
	v5 =	vor.u32 v0, v5;
	[tilespmem:s25+$0x0] =	vst v6  }
0x61: {  	v6 =	vld [tilespmem:s26+$0x0];
	[tilespmem:s25+$0xFFFFFFF0] =	vst v5  }
0x62: {  	v5 =	vld [tilespmem:s26+$0xFFFFFFF0]  }
0x63: {  	v2 =	vshll.u32 v2, $0x1  }
0x64: {  	v2 =	vor.u32 v0, v2;
	v3 =	vshll.u32 v3, $0x1  }
0x65: {  	[tilespmem:s26+$0xFFFFFFC0] =	vst v2;
	v2 =	vor.u32 v0, v3;
	v3 =	vshll.u32 v4, $0x1  }
0x66: {  	[tilespmem:s26+$0xFFFFFFD0] =	vst v2;
	v2 =	vor.u32 v0, v3;
	v3 =	vshll.u32 v6, $0x1  }
0x67: {  	[tilespmem:s26+$0xFFFFFFE0] =	vst v2;
	v2 =	vshll.u32 v5, $0x1;
	v3 =	vor.u32 v0, v3  }
0x68: {  	v2 =	vor.u32 v0, v2;
	[tilespmem:s26+$0x0] =	vst v3  }
0x69: {  	s30 =	simm.s32 $0x0;
	[tilespmem:s26+$0xFFFFFFF0] =	vst v2  }
0x6a: {  	[tilespmem:s18], [sflag:$0x1] =	stream.indirect.gather [hbm4b:s1+s21], $0x80, s30, s21, $0xb8;
	[tilespmem:$0x18800] =	vst v63  }
0x6b: {  	_ =	swait.ge [sflag:s19], $0x2800  }
0x6c: {  	[sflag:s19] =	ssyncset.done $0x0  }
0x6d: {  	s31 =	simm.s32 $0x1000;
	[sflag:s19] =	ssyncadd.s32 $0xFFFFD800  }
0x6e: {  	[spmem:s2] =	stream.indirect.scatter.add.f32 [tilespmem:s18], [sflag:$0x1], $0x80, s31, s21, $0xb8;
	[tilespmem:$0x18800] =	vst v63  }
0x6f: {  	_ =	swait.ge [sflag:s19], $0x2800  }
0x70: {  	s25 =	simm.s32 $0x200;
	s26 =	simm.s32 $0x400;
	[sflag:s19] =	ssyncset.done $0x0  }
.LBB2_7:
0x71: {  	s28 =	sshra.s32 s25, $0x2  }
0x72: {  	[sflag:s19] =	ssyncadd.s32 $0xFFFFD800;
	s25 =	smov.u32 s26;
	s29 =	sadd.s32 $0x200, s26  }
0x73: {  	[tilespmem:s18], [sflag:$0x1] =	stream.indirect.gather [hbm4b:s1+s21], $0x80, s28, s21, $0xb8;
	[tilespmem:$0x18800] =	vst v63  }
0x74: {  	p0 =	sne.s32 s26, $0x3000;
	_ =	swait.ge [sflag:s19], $0x2800  }
.Ltmp2:
0x75: {  	[sflag:s19] =	ssyncset.done $0x0;
	(pc) =	sbr.rel @p0 .LBB2_7-.Ltmp2, $4  }
0x76: {  	s26 =	sadd.s32 $0x1000, s28;
	[sflag:s19] =	ssyncadd.s32 $0xFFFFD800  }
0x77: {  	[spmem:s2] =	stream.indirect.scatter.add.f32 [tilespmem:s18], [sflag:$0x1], $0x80, s26, s21, $0xb8;
	[tilespmem:$0x18800] =	vst v63  }
0x78: {  	_ =	swait.ge [sflag:s19], $0x2800  }
0x79: {  	s26 =	smov.u32 s29;
	[sflag:s19] =	ssyncset.done $0x0  }
0x7a: {  	s25 =	sshra.s32 s25, $0x2;
	[sflag:s19] =	ssyncadd.s32 $0xFFFFD800  }
0x7b: {  	[tilespmem:s18], [sflag:$0x1] =	stream.indirect.gather [hbm4b:s1+s21], $0x80, s25, s21, $0xb8;
	[tilespmem:$0x18800] =	vst v63  }
0x7c: {  	s24 =	sadd.s32 $0x1, s24;
	_ =	swait.ge [sflag:s19], $0x2800  }
0x7d: {  	p0 =	sne.s32 s24, $0x5;
	[sflag:s19] =	ssyncset.done $0x0  }
.Ltmp3:
0x7e: {  	s25 =	sadd.s32 $0x1000, s25;
	[sflag:s19] =	ssyncadd.s32 $0xFFFFD800;
	(pc) =	sbr.rel @p0 .LBB2_4-.Ltmp3, $4  }
0x7f: {  	[spmem:s2] =	stream.indirect.scatter.add.f32 [tilespmem:s18], [sflag:$0x1], $0x80, s25, s21, $0xb8;
	[tilespmem:$0x18800] =	vst v63  }
0x80: {  	_ =	swait.ge [sflag:s19], $0x2800  }
0x81: {  	[sflag:s19] =	ssyncset.done $0x0  }
0x82: {  	[sflag:s19] =	ssyncadd.s32 $0xFFFFD800  }
0x83: {  	s23 =	sadd.s32 $0x1, s23  }
0x84: {  	p0 =	sne.s32 s23, s10  }
.Ltmp4:
0x85: {  	[bflag:$0x0] =	sbarrier.arrive $0xFFFF;
	s24 =	sshrl.u32 s9, $0x3;
	(pc) =	sbr.rel @p0 .LBB2_1-.Ltmp4, $4  }
0x86: {  	[hbm:s8], [sflag:s22] =	dma.local [spmem:s24], $0x2800  }
0x87: {  	_ =	swait.ge [sflag:s19], $0x2800  }
0x88: {  	[sflag:s19] =	ssyncset.done $0x0  }
0x89: {  	[sflag:s19] =	ssyncadd.s32 $0xFFFFD800  }
0x8a: {  	_ =	sfence.sel $0x180000  }
0x8b: {  	[bflag:$0x0] =	sbarrier.arrive $0xFFFF  }
0x8c: {  	p0 =	sne.s32 s3, $0x0;
	_ =	strace $0x90000050  }
0x8d: {  	s0 =	sadd.s32 @!p0 $0x100000, s0;
	[bflag:$0x2] =	sbarrier.arrive $0xFFFF  }
0x8e: {  	[sflag:s0] =	ssyncadd.tile.s32 @!p0 $0x1;
	_ =	shalt  }
.Lfunc_end2:
_tile_overlayer_lowered:
.L_overlay_start_2:
0x8f: {  	(tag) =	ssettag $0x2  }
0x90: {  	s0 =	rddreg [dreg:$0x0];
	s2 =	stileid.u32  }
0x91: {  	s1 =	rddreg [dreg:$0x1];
	p0 =	sne.s32 s2, $0x0  }
0x92: {  	s3 =	rddreg [dreg:$0x2];
	[bflag:$0x3] =	sbarrier.arrive $0xFFFF;
	s2 =	simm.s32 @!p0 $0x1C01  }
0x93: {  	[timem:s3], [sflag:s2] =	dma.local @!p0 [hbm:s0], s1  }
0x94: {  	s0 =	simm.s32 @!p0 $0x1  }
0x95: {  	_ =	swait.ge @!p0 [sflag:s0], s1  }
0x96: {  	s1 =	ssub.s32 @!p0 $0x0, s1;
	[sflag:s0] =	ssyncset.done @!p0 $0x0  }
0x97: {  	[sflag:s0] =	ssyncadd.s32 @!p0 s1  }
0x98: {  	[bflag:$0x3] =	sbarrier.arrive $0xFFFF  }
0x99: {  	_ =	shalt  }

</sc_bundles>
